<compile_context>
chip_gen: v7x
topology: tpu7x:2x2x1
jax: 0.10.2.dev20260603
libtpu: 0.0.44.dev20260713+nightly
codegen_flags: <defaults>
</compile_context>

<pallas_src>
import functools

import jax
import jax.numpy as jnp
from jax import lax
from jax.experimental import pallas as pl
from jax.experimental.pallas import tpu as pltpu
from jax.experimental.pallas import tpu_sc as plsc

B, N, K, DIM, HID = 1, 4096, 16, 32, 16
E = N * K
C = HID * DIM

NC, NS = 2, 16
NW = NC * NS
ROWS_W = E // NW
CH = 128
NCH = ROWS_W // CH

NB = 256
EB = NB * K
EQ = EB // 4
GRID = N // NB


RUN = ROWS_W // 4


def _sc_gather(table, idx2):
    mesh = plsc.VectorSubcoreMesh(core_axis_name="c", subcore_axis_name="s")

    @functools.partial(
        pl.kernel,
        mesh=mesh,
        compiler_params=pltpu.CompilerParams(use_tc_tiling_on_sc=False),
        out_type=jax.ShapeDtypeStruct((NW, RUN, 4, DIM), jnp.float32),
        scratch_types=[
            pltpu.VMEM((NCH, CH), jnp.int32),
            pltpu.VMEM((ROWS_W, DIM), jnp.float32),
            pltpu.SemaphoreType.DMA,
        ],
    )
    def gather_k(table_hbm, idx_hbm, out_hbm, idx_v, rows_v, sem):
        wid = lax.axis_index("s") * NC + lax.axis_index("c")
        blk = wid // 2
        h4 = (wid % 2) * 4
        for j in range(4):
            pltpu.sync_copy(idx_hbm.at[blk * 4 + j, pl.ds(h4, 4)],
                            idx_v.at[pl.ds(j * 4, 4)])
        copies = [
            pltpu.async_copy(
                table_hbm.at[idx_v.at[c]],
                rows_v.at[pl.ds(c * CH, CH)],
                sem,
            )
            for c in range(NCH)
        ]
        for c in copies:
            c.wait()
        for j in range(4):
            pltpu.sync_copy(rows_v.at[pl.ds(j * RUN, RUN)],
                            out_hbm.at[wid, :, j])

    return gather_k(table, idx2)


def _layernorm_t(x, g):
    mu = jnp.mean(x, axis=0, keepdims=True)
    var = jnp.var(x, axis=0, keepdims=True)
    return (x - mu) / jnp.sqrt(var + 1e-5) * g


def _dotg(a, b, dn):
    return lax.dot_general(a, b, (dn, ((), ())),
                           preferred_element_type=jnp.float32)


def _tc_body(x0t_ref, rel_ref, g4_ref, wxi_ref, wxj_ref, wsi_ref,
             w1_ref, b1_ref, g1_ref, w2_ref, b2_ref, g2_ref,
             w3m_ref, p2_ref, p2t_ref, a1_ref, a2_ref, out_ref):
    x0t = x0t_ref[...]
    xiT = _dotg(wxi_ref[...], x0t, ((0,), (0,)))
    siT = _dotg(wsi_ref[...], x0t, ((0,), (0,)))

    g4 = g4_ref[...]
    wxj = wxj_ref[...]
    gjT = jnp.concatenate(
        [_dotg(wxj, g4[:, j * DIM:(j + 1) * DIM], ((0,), (1,)))
         for j in range(4)], axis=1)
    xibT = _dotg(xiT, p2_ref[...], ((1,), (0,)))
    xfT = gjT + xibT

    h = w1_ref[...] * rel_ref[...] + b1_ref[...]
    h = h * lax.logistic(h)
    h = _layernorm_t(h, g1_ref[...])
    h = _dotg(w2_ref[...], h, ((0,), (0,))) + b2_ref[...]
    h = h * lax.logistic(h)
    h = _layernorm_t(h, g2_ref[...])

    yT = _dotg(w3m_ref[...], xfT, ((0,), (0,)))
    parts = [h[hi:hi + 1, :] * yT[hi * DIM:(hi + 1) * DIM, :]
             for hi in range(HID)]
    while len(parts) > 1:
        parts = [parts[j] + parts[j + 1] for j in range(0, len(parts), 2)]
    zT = parts[0]

    zcat = jnp.concatenate([zT, xfT], axis=0)
    pool = _dotg(zcat, p2t_ref[...], ((1,), (0,)))
    out_ref[...] = (_dotg(a1_ref[...], pool[0:DIM, :], ((1,), (0,)))
                    + _dotg(a2_ref[...], pool[DIM:2 * DIM, :], ((1,), (0,)))
                    + siT)


def kernel(x0, neighbor_indices, neighbor_mask, rel_dist, W_xi, W_xj,
           W1, b1, g1, W2, b2, g2, W3, b3, W_out, W_si):
    f32 = jnp.float32
    xt = x0.reshape(N, DIM).astype(f32)
    idx2 = neighbor_indices.astype(jnp.int32).reshape(GRID * 4, EQ // CH, CH)
    gathered = _sc_gather(xt, idx2)
    g4 = gathered.reshape(E // 4, 4 * DIM)

    relr = rel_dist.reshape(1, E).astype(f32)
    xtT = xt.T
    w3m = W3.reshape(HID, DIM, DIM).transpose(2, 0, 1).reshape(DIM, C)
    p2 = jnp.repeat(jnp.eye(NB, dtype=f32), K, axis=1)
    p2t = p2.T
    a1 = W_out.T * (1.0 / K)
    a2 = jnp.dot(W_out.T, b3.reshape(DIM, DIM)) * (1.0 / K)

    full = lambda shape: pl.BlockSpec(shape, lambda i: (0,) * len(shape))
    out = pl.pallas_call(
        _tc_body,
        grid=(GRID,),
        in_specs=[
            pl.BlockSpec((DIM, NB), lambda i: (0, i)),
            pl.BlockSpec((1, EB), lambda i: (0, i)),
            pl.BlockSpec((EQ, 4 * DIM), lambda i: (i, 0)),
            full((DIM, DIM)), full((DIM, DIM)), full((DIM, DIM)),
            full((HID, 1)), full((HID, 1)), full((HID, 1)),
            full((HID, HID)), full((HID, 1)), full((HID, 1)),
            full((DIM, C)), full((NB, EB)), full((EB, NB)),
            full((DIM, DIM)), full((DIM, DIM)),
        ],
        out_specs=pl.BlockSpec((DIM, NB), lambda i: (0, i)),
        out_shape=jax.ShapeDtypeStruct((DIM, N), f32),
    )(
        xtT, relr, g4, W_xi, W_xj, W_si,
        W1.reshape(HID, 1), b1.reshape(HID, 1), g1.reshape(HID, 1),
        W2, b2.reshape(HID, 1), g2.reshape(HID, 1),
        w3m, p2, p2t, a1, a2,
    )
    return out.T.reshape(B, N, DIM, 1)

# --- scband reference (transcript-rebuilt; emitter-appended) ---
"""Pipeline reference for scband-dtp-21852793602298 (READ-ONLY COPY).

The authoritative reference and input builder live on the scoring server;
editing this copy changes nothing except your own understanding.
"""

import jax, jax.numpy as jnp
import numpy as np

B, N, K, DIM, HID = 1, 4096, 16, 32, 16


def _ln(x, g):
    mu = jnp.mean(x, axis=-1, keepdims=True)
    var = jnp.var(x, axis=-1, keepdims=True)
    return (x - mu) / jnp.sqrt(var + 1e-5) * g


def _radial(feat, W1, b1, g1, W2, b2, g2, W3, b3):
    h = feat @ W1 + b1
    h = jax.nn.silu(h)
    h = _ln(h, g1)
    h = h @ W2 + b2
    h = jax.nn.silu(h)
    h = _ln(h, g2)
    h = h @ W3 + b3
    # Rearrange '... (lo li) -> ... lo li' with li=nc_in innermost
    return h.reshape(h.shape[:-1] + (DIM, DIM))


def setup_inputs(seed: int = 0) -> dict:
    key = jax.random.key(seed)
    ks = jax.random.split(key, 16)
    s = 1.0 / np.sqrt(DIM)
    inp = {
        'x0': jax.random.normal(ks[0], (B, N, DIM, 1), jnp.float32),
        'neighbor_indices': jax.random.randint(ks[1], (B, N, K), 0, N),
        'neighbor_mask': jnp.ones((B, N, K), dtype=bool),
        'rel_dist': jax.random.uniform(ks[2], (B, N, K, 1), jnp.float32),
        'W_xi': jax.random.normal(ks[3], (DIM, DIM), jnp.float32) * s,
        'W_xj': jax.random.normal(ks[4], (DIM, DIM), jnp.float32) * s,
        'W1': jax.random.normal(ks[5], (1, HID), jnp.float32),
        'b1': jnp.zeros((HID,), jnp.float32),
        'g1': jnp.ones((HID,), jnp.float32),
        'W2': jax.random.normal(ks[6], (HID, HID), jnp.float32) / np.sqrt(HID),
        'b2': jnp.zeros((HID,), jnp.float32),
        'g2': jnp.ones((HID,), jnp.float32),
        'W3': jax.random.normal(ks[7], (HID, DIM * DIM), jnp.float32) / np.sqrt(HID),
        'b3': jnp.zeros((DIM * DIM,), jnp.float32),
        'W_out': jax.random.normal(ks[8], (DIM, DIM), jnp.float32) * s,
        'W_si': jax.random.normal(ks[9], (DIM, DIM), jnp.float32) * s,
    }
    return inp


def reference(x0, neighbor_indices, neighbor_mask, rel_dist, W_xi, W_xj, W1, b1, g1, W2, b2, g2, W3, b3, W_out, W_si):
    # DTP with fiber_in=(32,), fiber_out=(32,): only degree 0, so basis={} and D={} are unused.
    # project_xi_xj
    xi = jnp.einsum('bndm,de->bnem', x0, W_xi)
    xj = jnp.einsum('bndm,de->bnem', x0, W_xj)
    # get_at 'b [i] d m, b j k -> b j k d m' (neighbor gather)
    x = jax.vmap(lambda feats, idx: feats[idx])(xj, neighbor_indices)  # [b,n,k,d,1]
    x = x + xi[:, :, None]
    # degree 0 -> no Wigner D rotation, no slicing/padding (m_in=m_out=1)
    # radial kernel on edge features (edges=None so features = rel_dist)
    R = _radial(rel_dist, W1, b1, g1, W2, b2, g2, W3, b3)  # [b,n,k,lo,li]
    out = jnp.einsum('bnkoi,bnkim->bnkom', R, x)  # [b,n,k,d,1]
    # masked mean pool over neighbors (dim=2)
    mask = neighbor_mask[..., None, None]
    num = jnp.sum(jnp.where(mask, out, 0.0), axis=2)
    den = jnp.clip(jnp.sum(neighbor_mask, axis=2), 1, None).astype(out.dtype)[..., None, None]
    pooled = num / den  # [b,n,d,1]
    # project_out then residual with self interaction
    projected = jnp.einsum('bndm,de->bnem', pooled, W_out)
    si = jnp.einsum('bndm,de->bnem', x0, W_si)
    return projected + si


if False:  # reference __main__ guard neutralized (emitter)
    out = reference(**setup_inputs())
    print(out.shape)

if __name__ == "__main__":
    import jax
    _d = setup_inputs()
    print(jax.jit(kernel)(*tuple(_d.values())))

</pallas_src>

<mosaic_0001>
#map = affine_map<(d0, d1) -> (0, 0)>
#map1 = affine_map<(d0, d1) -> (0, 0, 0)>
#map2 = affine_map<(d0, d1) -> (0, 0, 0, 0)>
module attributes {stable_mosaic.version = 14 : i64} {
  func.func @gather_k(%arg0: i32, %arg1: i32, %arg2: memref<4096x32xf32, #tpu.memory_space<hbm>>, %arg3: memref<64x8x128xi32, #tpu.memory_space<hbm>>, %arg4: memref<32x512x4x32xf32, #tpu.memory_space<hbm>>, %arg5: memref<16x128xi32, #tpu.memory_space<vmem>>, %arg6: memref<2048x32xf32, #tpu.memory_space<vmem>>, %arg7: memref<!tpu.dma_semaphore, #tpu.memory_space<semaphore_mem>>) attributes {dimension_semantics = [#tpu.dimension_semantics<core_parallel>, #tpu.dimension_semantics<subcore_parallel>], iteration_bounds = array<i64: 2, 16>, scalar_prefetch = 0 : i64, scratch_operands = 3 : i64, tpu.core_type = #tpu.core_type<sc_vector_subcore>, window_params = [{transform_indices = #map}, {transform_indices = #map1}, {transform_indices = #map2}]} {
    %mul3A = arith.constant 2 : i32
    %mul3A_0 = arith.muli %arg1, %mul3A : i32
    %add3A = arith.addi %mul3A_0, %arg0 : i32
    %jit3A = arith.constant 2 : i32
    %div3A = arith.divsi %add3A, %jit3A : i32
    %sign3A = arith.constant 0 : i32
    %sign3A_1 = arith.cmpi sgt, %add3A, %sign3A : i32
    %sign3A_2 = arith.extui %sign3A_1 : i1 to i32
    %sign3A_3 = arith.constant 0 : i32
    %sign3A_4 = arith.cmpi slt, %add3A, %sign3A_3 : i32
    %sign3A_5 = arith.extui %sign3A_4 : i1 to i32
    %sign3A_6 = arith.subi %sign3A_2, %sign3A_5 : i32
    %sign3A_7 = arith.constant 0 : i32
    %sign3A_8 = arith.cmpi sgt, %jit3A, %sign3A_7 : i32
    %sign3A_9 = arith.extui %sign3A_8 : i1 to i32
    %sign3A_10 = arith.constant 0 : i32
    %sign3A_11 = arith.cmpi slt, %jit3A, %sign3A_10 : i32
    %sign3A_12 = arith.extui %sign3A_11 : i1 to i32
    %sign3A_13 = arith.subi %sign3A_9, %sign3A_12 : i32
    %ne3A = arith.cmpi ne, %sign3A_6, %sign3A_13 : i32
    %rem3A = arith.remsi %add3A, %jit3A : i32
    %ne3A_14 = arith.constant 0 : i32
    %ne3A_15 = arith.cmpi ne, %rem3A, %ne3A_14 : i32
    %and3A = arith.andi %ne3A, %ne3A_15 : i1
    %sub3A = arith.constant 1 : i32
    %sub3A_16 = arith.subi %div3A, %sub3A : i32
    %select_n3A = arith.select %and3A, %sub3A_16, %div3A : i32
    %jit3A_17 = arith.constant 2 : i32
    %eq3A = arith.constant 0 : i32
    %eq3A_18 = arith.cmpi eq, %jit3A_17, %eq3A : i32
    %jit3A_19 = arith.constant 1 : i32
    %select_n3A_20 = arith.select %eq3A_18, %jit3A_19, %jit3A_17 : i32
    %rem3A_21 = arith.remsi %add3A, %select_n3A_20 : i32
    %ne3A_22 = arith.constant 0 : i32
    %ne3A_23 = arith.cmpi ne, %rem3A_21, %ne3A_22 : i32
    %lt3A = arith.constant 0 : i32
    %lt3A_24 = arith.cmpi slt, %rem3A_21, %lt3A : i32
    %lt3A_25 = arith.constant 0 : i32
    %lt3A_26 = arith.cmpi slt, %select_n3A_20, %lt3A_25 : i32
    %ne3A_27 = arith.xori %lt3A_24, %lt3A_26 : i1
    %and3A_28 = arith.andi %ne3A_27, %ne3A_23 : i1
    %add3A_29 = arith.addi %rem3A_21, %select_n3A_20 : i32
    %select_n3A_30 = arith.select %and3A_28, %add3A_29, %rem3A_21 : i32
    %mul3A_31 = arith.constant 4 : i32
    %mul3A_32 = arith.muli %select_n3A_30, %mul3A_31 : i32
    %mul3A_33 = arith.constant 4 : i32
    %mul3A_34 = arith.muli %select_n3A, %mul3A_33 : i32
    %add3A_35 = arith.constant 0 : i32
    %add3A_36 = arith.addi %mul3A_34, %add3A_35 : i32
    "tpu.region"() ({
      %run_scoped3A_370 = tpu.sem_alloc : memref<!tpu.dma_semaphore, #tpu.memory_space<semaphore_mem>>
      %dma_start3A_371 = arith.constant 0 : i32
      %dma_start3A_372 = arith.constant 0 : i32
      %dma_start3A_373 = tpu.memref_slice %arg5[%dma_start3A_371, %dma_start3A_372] : memref<16x128xi32, #tpu.memory_space<vmem>> -> memref<4x128xi32, #tpu.memory_space<vmem>>
      %dma_start3A_374 = arith.constant 0 : i32
      %dma_start3A_375 = tpu.memref_slice %arg3[%add3A_36, %mul3A_32, %dma_start3A_374] : memref<64x8x128xi32, #tpu.memory_space<hbm>> -> memref<1x4x128xi32, #tpu.memory_space<hbm>>
      %dma_start3A_376 = tpu.memref_squeeze %dma_start3A_375 : memref<1x4x128xi32, #tpu.memory_space<hbm>> -> memref<4x128xi32, #tpu.memory_space<hbm>>
      %dma_start3A_377 = arith.constant 0 : i32
      %dma_start3A_378 = arith.constant 0 : i32
      %dma_start3A_379 = tpu.memref_slice %arg5[%dma_start3A_377, %dma_start3A_378] : memref<16x128xi32, #tpu.memory_space<vmem>> -> memref<4x128xi32, #tpu.memory_space<vmem>>
      %dma_start3A_380 = arith.constant 0 : i32
      %dma_start3A_381 = tpu.memref_slice %arg3[%add3A_36, %mul3A_32, %dma_start3A_380] : memref<64x8x128xi32, #tpu.memory_space<hbm>> -> memref<1x4x128xi32, #tpu.memory_space<hbm>>
      %dma_start3A_382 = tpu.memref_squeeze %dma_start3A_381 : memref<1x4x128xi32, #tpu.memory_space<hbm>> -> memref<4x128xi32, #tpu.memory_space<hbm>>
      tpu.enqueue_dma source(%dma_start3A_382 : memref<4x128xi32, #tpu.memory_space<hbm>>) target(%dma_start3A_379 : memref<4x128xi32, #tpu.memory_space<vmem>>) target_semaphore(%run_scoped3A_370 : memref<!tpu.dma_semaphore, #tpu.memory_space<semaphore_mem>>)
      %dma_wait3A_383 = arith.constant 0 : i32
      %dma_wait3A_384 = arith.constant 0 : i32
      %dma_wait3A_385 = tpu.memref_slice %arg5[%dma_wait3A_383, %dma_wait3A_384] : memref<16x128xi32, #tpu.memory_space<vmem>> -> memref<4x128xi32, #tpu.memory_space<vmem>>
      %dma_wait3A_386 = arith.constant 0 : i32
      %dma_wait3A_387 = tpu.memref_slice %arg3[%add3A_36, %mul3A_32, %dma_wait3A_386] : memref<64x8x128xi32, #tpu.memory_space<hbm>> -> memref<1x4x128xi32, #tpu.memory_space<hbm>>
      %dma_wait3A_388 = tpu.memref_squeeze %dma_wait3A_387 : memref<1x4x128xi32, #tpu.memory_space<hbm>> -> memref<4x128xi32, #tpu.memory_space<hbm>>
      %dma_wait3A_389 = arith.constant 0 : i32
      %dma_wait3A_390 = arith.constant 0 : i32
      %dma_wait3A_391 = tpu.memref_slice %arg5[%dma_wait3A_389, %dma_wait3A_390] : memref<16x128xi32, #tpu.memory_space<vmem>> -> memref<4x128xi32, #tpu.memory_space<vmem>>
      %dma_wait3A_392 = arith.constant 0 : i32
      %dma_wait3A_393 = tpu.memref_slice %arg3[%add3A_36, %mul3A_32, %dma_wait3A_392] : memref<64x8x128xi32, #tpu.memory_space<hbm>> -> memref<1x4x128xi32, #tpu.memory_space<hbm>>
      %dma_wait3A_394 = tpu.memref_squeeze %dma_wait3A_393 : memref<1x4x128xi32, #tpu.memory_space<hbm>> -> memref<4x128xi32, #tpu.memory_space<hbm>>
      tpu.wait_dma2 semaphore(%run_scoped3A_370 : memref<!tpu.dma_semaphore, #tpu.memory_space<semaphore_mem>>) src(%dma_wait3A_394 : memref<4x128xi32, #tpu.memory_space<hbm>>) dst(%dma_wait3A_391 : memref<4x128xi32, #tpu.memory_space<vmem>>)
      tpu.yield
    }) : () -> ()
    %mul3A_37 = arith.constant 4 : i32
    %mul3A_38 = arith.muli %select_n3A, %mul3A_37 : i32
    %add3A_39 = arith.constant 1 : i32
    %add3A_40 = arith.addi %mul3A_38, %add3A_39 : i32
    "tpu.region"() ({
      %run_scoped3A_370 = tpu.sem_alloc : memref<!tpu.dma_semaphore, #tpu.memory_space<semaphore_mem>>
      %dma_start3A_371 = arith.constant 4 : i32
      %dma_start3A_372 = arith.constant 0 : i32
      %dma_start3A_373 = tpu.memref_slice %arg5[%dma_start3A_371, %dma_start3A_372] : memref<16x128xi32, #tpu.memory_space<vmem>> -> memref<4x128xi32, #tpu.memory_space<vmem>>
      %dma_start3A_374 = arith.constant 0 : i32
      %dma_start3A_375 = tpu.memref_slice %arg3[%add3A_40, %mul3A_32, %dma_start3A_374] : memref<64x8x128xi32, #tpu.memory_space<hbm>> -> memref<1x4x128xi32, #tpu.memory_space<hbm>>
      %dma_start3A_376 = tpu.memref_squeeze %dma_start3A_375 : memref<1x4x128xi32, #tpu.memory_space<hbm>> -> memref<4x128xi32, #tpu.memory_space<hbm>>
      %dma_start3A_377 = arith.constant 4 : i32
      %dma_start3A_378 = arith.constant 0 : i32
      %dma_start3A_379 = tpu.memref_slice %arg5[%dma_start3A_377, %dma_start3A_378] : memref<16x128xi32, #tpu.memory_space<vmem>> -> memref<4x128xi32, #tpu.memory_space<vmem>>
      %dma_start3A_380 = arith.constant 0 : i32
      %dma_start3A_381 = tpu.memref_slice %arg3[%add3A_40, %mul3A_32, %dma_start3A_380] : memref<64x8x128xi32, #tpu.memory_space<hbm>> -> memref<1x4x128xi32, #tpu.memory_space<hbm>>
      %dma_start3A_382 = tpu.memref_squeeze %dma_start3A_381 : memref<1x4x128xi32, #tpu.memory_space<hbm>> -> memref<4x128xi32, #tpu.memory_space<hbm>>
      tpu.enqueue_dma source(%dma_start3A_382 : memref<4x128xi32, #tpu.memory_space<hbm>>) target(%dma_start3A_379 : memref<4x128xi32, #tpu.memory_space<vmem>>) target_semaphore(%run_scoped3A_370 : memref<!tpu.dma_semaphore, #tpu.memory_space<semaphore_mem>>)
      %dma_wait3A_383 = arith.constant 4 : i32
      %dma_wait3A_384 = arith.constant 0 : i32
      %dma_wait3A_385 = tpu.memref_slice %arg5[%dma_wait3A_383, %dma_wait3A_384] : memref<16x128xi32, #tpu.memory_space<vmem>> -> memref<4x128xi32, #tpu.memory_space<vmem>>
      %dma_wait3A_386 = arith.constant 0 : i32
      %dma_wait3A_387 = tpu.memref_slice %arg3[%add3A_40, %mul3A_32, %dma_wait3A_386] : memref<64x8x128xi32, #tpu.memory_space<hbm>> -> memref<1x4x128xi32, #tpu.memory_space<hbm>>
      %dma_wait3A_388 = tpu.memref_squeeze %dma_wait3A_387 : memref<1x4x128xi32, #tpu.memory_space<hbm>> -> memref<4x128xi32, #tpu.memory_space<hbm>>
      %dma_wait3A_389 = arith.constant 4 : i32
      %dma_wait3A_390 = arith.constant 0 : i32
      %dma_wait3A_391 = tpu.memref_slice %arg5[%dma_wait3A_389, %dma_wait3A_390] : memref<16x128xi32, #tpu.memory_space<vmem>> -> memref<4x128xi32, #tpu.memory_space<vmem>>
      %dma_wait3A_392 = arith.constant 0 : i32
      %dma_wait3A_393 = tpu.memref_slice %arg3[%add3A_40, %mul3A_32, %dma_wait3A_392] : memref<64x8x128xi32, #tpu.memory_space<hbm>> -> memref<1x4x128xi32, #tpu.memory_space<hbm>>
      %dma_wait3A_394 = tpu.memref_squeeze %dma_wait3A_393 : memref<1x4x128xi32, #tpu.memory_space<hbm>> -> memref<4x128xi32, #tpu.memory_space<hbm>>
      tpu.wait_dma2 semaphore(%run_scoped3A_370 : memref<!tpu.dma_semaphore, #tpu.memory_space<semaphore_mem>>) src(%dma_wait3A_394 : memref<4x128xi32, #tpu.memory_space<hbm>>) dst(%dma_wait3A_391 : memref<4x128xi32, #tpu.memory_space<vmem>>)
      tpu.yield
    }) : () -> ()
    %mul3A_41 = arith.constant 4 : i32
    %mul3A_42 = arith.muli %select_n3A, %mul3A_41 : i32
    %add3A_43 = arith.constant 2 : i32
    %add3A_44 = arith.addi %mul3A_42, %add3A_43 : i32
    "tpu.region"() ({
      %run_scoped3A_370 = tpu.sem_alloc : memref<!tpu.dma_semaphore, #tpu.memory_space<semaphore_mem>>
      %dma_start3A_371 = arith.constant 8 : i32
      %dma_start3A_372 = arith.constant 0 : i32
      %dma_start3A_373 = tpu.memref_slice %arg5[%dma_start3A_371, %dma_start3A_372] : memref<16x128xi32, #tpu.memory_space<vmem>> -> memref<4x128xi32, #tpu.memory_space<vmem>>
      %dma_start3A_374 = arith.constant 0 : i32
      %dma_start3A_375 = tpu.memref_slice %arg3[%add3A_44, %mul3A_32, %dma_start3A_374] : memref<64x8x128xi32, #tpu.memory_space<hbm>> -> memref<1x4x128xi32, #tpu.memory_space<hbm>>
      %dma_start3A_376 = tpu.memref_squeeze %dma_start3A_375 : memref<1x4x128xi32, #tpu.memory_space<hbm>> -> memref<4x128xi32, #tpu.memory_space<hbm>>
      %dma_start3A_377 = arith.constant 8 : i32
      %dma_start3A_378 = arith.constant 0 : i32
      %dma_start3A_379 = tpu.memref_slice %arg5[%dma_start3A_377, %dma_start3A_378] : memref<16x128xi32, #tpu.memory_space<vmem>> -> memref<4x128xi32, #tpu.memory_space<vmem>>
      %dma_start3A_380 = arith.constant 0 : i32
      %dma_start3A_381 = tpu.memref_slice %arg3[%add3A_44, %mul3A_32, %dma_start3A_380] : memref<64x8x128xi32, #tpu.memory_space<hbm>> -> memref<1x4x128xi32, #tpu.memory_space<hbm>>
      %dma_start3A_382 = tpu.memref_squeeze %dma_start3A_381 : memref<1x4x128xi32, #tpu.memory_space<hbm>> -> memref<4x128xi32, #tpu.memory_space<hbm>>
      tpu.enqueue_dma source(%dma_start3A_382 : memref<4x128xi32, #tpu.memory_space<hbm>>) target(%dma_start3A_379 : memref<4x128xi32, #tpu.memory_space<vmem>>) target_semaphore(%run_scoped3A_370 : memref<!tpu.dma_semaphore, #tpu.memory_space<semaphore_mem>>)
      %dma_wait3A_383 = arith.constant 8 : i32
      %dma_wait3A_384 = arith.constant 0 : i32
      %dma_wait3A_385 = tpu.memref_slice %arg5[%dma_wait3A_383, %dma_wait3A_384] : memref<16x128xi32, #tpu.memory_space<vmem>> -> memref<4x128xi32, #tpu.memory_space<vmem>>
      %dma_wait3A_386 = arith.constant 0 : i32
      %dma_wait3A_387 = tpu.memref_slice %arg3[%add3A_44, %mul3A_32, %dma_wait3A_386] : memref<64x8x128xi32, #tpu.memory_space<hbm>> -> memref<1x4x128xi32, #tpu.memory_space<hbm>>
      %dma_wait3A_388 = tpu.memref_squeeze %dma_wait3A_387 : memref<1x4x128xi32, #tpu.memory_space<hbm>> -> memref<4x128xi32, #tpu.memory_space<hbm>>
      %dma_wait3A_389 = arith.constant 8 : i32
      %dma_wait3A_390 = arith.constant 0 : i32
      %dma_wait3A_391 = tpu.memref_slice %arg5[%dma_wait3A_389, %dma_wait3A_390] : memref<16x128xi32, #tpu.memory_space<vmem>> -> memref<4x128xi32, #tpu.memory_space<vmem>>
      %dma_wait3A_392 = arith.constant 0 : i32
      %dma_wait3A_393 = tpu.memref_slice %arg3[%add3A_44, %mul3A_32, %dma_wait3A_392] : memref<64x8x128xi32, #tpu.memory_space<hbm>> -> memref<1x4x128xi32, #tpu.memory_space<hbm>>
      %dma_wait3A_394 = tpu.memref_squeeze %dma_wait3A_393 : memref<1x4x128xi32, #tpu.memory_space<hbm>> -> memref<4x128xi32, #tpu.memory_space<hbm>>
      tpu.wait_dma2 semaphore(%run_scoped3A_370 : memref<!tpu.dma_semaphore, #tpu.memory_space<semaphore_mem>>) src(%dma_wait3A_394 : memref<4x128xi32, #tpu.memory_space<hbm>>) dst(%dma_wait3A_391 : memref<4x128xi32, #tpu.memory_space<vmem>>)
      tpu.yield
    }) : () -> ()
    %mul3A_45 = arith.constant 4 : i32
    %mul3A_46 = arith.muli %select_n3A, %mul3A_45 : i32
    %add3A_47 = arith.constant 3 : i32
    %add3A_48 = arith.addi %mul3A_46, %add3A_47 : i32
    "tpu.region"() ({
      %run_scoped3A_370 = tpu.sem_alloc : memref<!tpu.dma_semaphore, #tpu.memory_space<semaphore_mem>>
      %dma_start3A_371 = arith.constant 12 : i32
      %dma_start3A_372 = arith.constant 0 : i32
      %dma_start3A_373 = tpu.memref_slice %arg5[%dma_start3A_371, %dma_start3A_372] : memref<16x128xi32, #tpu.memory_space<vmem>> -> memref<4x128xi32, #tpu.memory_space<vmem>>
      %dma_start3A_374 = arith.constant 0 : i32
      %dma_start3A_375 = tpu.memref_slice %arg3[%add3A_48, %mul3A_32, %dma_start3A_374] : memref<64x8x128xi32, #tpu.memory_space<hbm>> -> memref<1x4x128xi32, #tpu.memory_space<hbm>>
      %dma_start3A_376 = tpu.memref_squeeze %dma_start3A_375 : memref<1x4x128xi32, #tpu.memory_space<hbm>> -> memref<4x128xi32, #tpu.memory_space<hbm>>
      %dma_start3A_377 = arith.constant 12 : i32
      %dma_start3A_378 = arith.constant 0 : i32
      %dma_start3A_379 = tpu.memref_slice %arg5[%dma_start3A_377, %dma_start3A_378] : memref<16x128xi32, #tpu.memory_space<vmem>> -> memref<4x128xi32, #tpu.memory_space<vmem>>
      %dma_start3A_380 = arith.constant 0 : i32
      %dma_start3A_381 = tpu.memref_slice %arg3[%add3A_48, %mul3A_32, %dma_start3A_380] : memref<64x8x128xi32, #tpu.memory_space<hbm>> -> memref<1x4x128xi32, #tpu.memory_space<hbm>>
      %dma_start3A_382 = tpu.memref_squeeze %dma_start3A_381 : memref<1x4x128xi32, #tpu.memory_space<hbm>> -> memref<4x128xi32, #tpu.memory_space<hbm>>
      tpu.enqueue_dma source(%dma_start3A_382 : memref<4x128xi32, #tpu.memory_space<hbm>>) target(%dma_start3A_379 : memref<4x128xi32, #tpu.memory_space<vmem>>) target_semaphore(%run_scoped3A_370 : memref<!tpu.dma_semaphore, #tpu.memory_space<semaphore_mem>>)
      %dma_wait3A_383 = arith.constant 12 : i32
      %dma_wait3A_384 = arith.constant 0 : i32
      %dma_wait3A_385 = tpu.memref_slice %arg5[%dma_wait3A_383, %dma_wait3A_384] : memref<16x128xi32, #tpu.memory_space<vmem>> -> memref<4x128xi32, #tpu.memory_space<vmem>>
      %dma_wait3A_386 = arith.constant 0 : i32
      %dma_wait3A_387 = tpu.memref_slice %arg3[%add3A_48, %mul3A_32, %dma_wait3A_386] : memref<64x8x128xi32, #tpu.memory_space<hbm>> -> memref<1x4x128xi32, #tpu.memory_space<hbm>>
      %dma_wait3A_388 = tpu.memref_squeeze %dma_wait3A_387 : memref<1x4x128xi32, #tpu.memory_space<hbm>> -> memref<4x128xi32, #tpu.memory_space<hbm>>
      %dma_wait3A_389 = arith.constant 12 : i32
      %dma_wait3A_390 = arith.constant 0 : i32
      %dma_wait3A_391 = tpu.memref_slice %arg5[%dma_wait3A_389, %dma_wait3A_390] : memref<16x128xi32, #tpu.memory_space<vmem>> -> memref<4x128xi32, #tpu.memory_space<vmem>>
      %dma_wait3A_392 = arith.constant 0 : i32
      %dma_wait3A_393 = tpu.memref_slice %arg3[%add3A_48, %mul3A_32, %dma_wait3A_392] : memref<64x8x128xi32, #tpu.memory_space<hbm>> -> memref<1x4x128xi32, #tpu.memory_space<hbm>>
      %dma_wait3A_394 = tpu.memref_squeeze %dma_wait3A_393 : memref<1x4x128xi32, #tpu.memory_space<hbm>> -> memref<4x128xi32, #tpu.memory_space<hbm>>
      tpu.wait_dma2 semaphore(%run_scoped3A_370 : memref<!tpu.dma_semaphore, #tpu.memory_space<semaphore_mem>>) src(%dma_wait3A_394 : memref<4x128xi32, #tpu.memory_space<hbm>>) dst(%dma_wait3A_391 : memref<4x128xi32, #tpu.memory_space<vmem>>)
      tpu.yield
    }) : () -> ()
    %dma_start3A = arith.constant 0 : i32
    %dma_start3A_49 = arith.constant 0 : i32
    %dma_start3A_50 = arith.constant 0 : i32
    %dma_start3A_51 = tpu.memref_slice %arg6[%dma_start3A_49, %dma_start3A_50] : memref<2048x32xf32, #tpu.memory_space<vmem>> -> memref<128x32xf32, #tpu.memory_space<vmem>>
    %dma_start3A_52 = arith.constant 0 : i32
    %dma_start3A_53 = tpu.memref_slice %arg5[%dma_start3A, %dma_start3A_52] : memref<16x128xi32, #tpu.memory_space<vmem>> -> memref<1x128xi32, #tpu.memory_space<vmem>>
    %dma_start3A_54 = tpu.memref_squeeze %dma_start3A_53 : memref<1x128xi32, #tpu.memory_space<vmem>> -> memref<128xi32, #tpu.memory_space<vmem>>
    %dma_start3A_55 = arith.constant 0 : i32
    %dma_start3A_56 = arith.constant 0 : i32
    %dma_start3A_57 = tpu.memref_slice %arg2[%dma_start3A_55, %dma_start3A_56] : memref<4096x32xf32, #tpu.memory_space<hbm>> -> memref<4096x32xf32, #tpu.memory_space<hbm>>
    tpu.enqueue_indirect_dma source(%dma_start3A_57 : memref<4096x32xf32, #tpu.memory_space<hbm>>) target(%dma_start3A_51 : memref<128x32xf32, #tpu.memory_space<vmem>>) offsets(%dma_start3A_54 : memref<128xi32, #tpu.memory_space<vmem>>) semaphore(%arg7 : memref<!tpu.dma_semaphore, #tpu.memory_space<semaphore_mem>>)
    %dma_start3A_58 = arith.constant 1 : i32
    %dma_start3A_59 = arith.constant 128 : i32
    %dma_start3A_60 = arith.constant 0 : i32
    %dma_start3A_61 = tpu.memref_slice %arg6[%dma_start3A_59, %dma_start3A_60] : memref<2048x32xf32, #tpu.memory_space<vmem>> -> memref<128x32xf32, #tpu.memory_space<vmem>>
    %dma_start3A_62 = arith.constant 0 : i32
    %dma_start3A_63 = tpu.memref_slice %arg5[%dma_start3A_58, %dma_start3A_62] : memref<16x128xi32, #tpu.memory_space<vmem>> -> memref<1x128xi32, #tpu.memory_space<vmem>>
    %dma_start3A_64 = tpu.memref_squeeze %dma_start3A_63 : memref<1x128xi32, #tpu.memory_space<vmem>> -> memref<128xi32, #tpu.memory_space<vmem>>
    %dma_start3A_65 = arith.constant 0 : i32
    %dma_start3A_66 = arith.constant 0 : i32
    %dma_start3A_67 = tpu.memref_slice %arg2[%dma_start3A_65, %dma_start3A_66] : memref<4096x32xf32, #tpu.memory_space<hbm>> -> memref<4096x32xf32, #tpu.memory_space<hbm>>
    tpu.enqueue_indirect_dma source(%dma_start3A_67 : memref<4096x32xf32, #tpu.memory_space<hbm>>) target(%dma_start3A_61 : memref<128x32xf32, #tpu.memory_space<vmem>>) offsets(%dma_start3A_64 : memref<128xi32, #tpu.memory_space<vmem>>) semaphore(%arg7 : memref<!tpu.dma_semaphore, #tpu.memory_space<semaphore_mem>>)
    %dma_start3A_68 = arith.constant 2 : i32
    %dma_start3A_69 = arith.constant 256 : i32
    %dma_start3A_70 = arith.constant 0 : i32
    %dma_start3A_71 = tpu.memref_slice %arg6[%dma_start3A_69, %dma_start3A_70] : memref<2048x32xf32, #tpu.memory_space<vmem>> -> memref<128x32xf32, #tpu.memory_space<vmem>>
    %dma_start3A_72 = arith.constant 0 : i32
    %dma_start3A_73 = tpu.memref_slice %arg5[%dma_start3A_68, %dma_start3A_72] : memref<16x128xi32, #tpu.memory_space<vmem>> -> memref<1x128xi32, #tpu.memory_space<vmem>>
    %dma_start3A_74 = tpu.memref_squeeze %dma_start3A_73 : memref<1x128xi32, #tpu.memory_space<vmem>> -> memref<128xi32, #tpu.memory_space<vmem>>
    %dma_start3A_75 = arith.constant 0 : i32
    %dma_start3A_76 = arith.constant 0 : i32
    %dma_start3A_77 = tpu.memref_slice %arg2[%dma_start3A_75, %dma_start3A_76] : memref<4096x32xf32, #tpu.memory_space<hbm>> -> memref<4096x32xf32, #tpu.memory_space<hbm>>
    tpu.enqueue_indirect_dma source(%dma_start3A_77 : memref<4096x32xf32, #tpu.memory_space<hbm>>) target(%dma_start3A_71 : memref<128x32xf32, #tpu.memory_space<vmem>>) offsets(%dma_start3A_74 : memref<128xi32, #tpu.memory_space<vmem>>) semaphore(%arg7 : memref<!tpu.dma_semaphore, #tpu.memory_space<semaphore_mem>>)
    %dma_start3A_78 = arith.constant 3 : i32
    %dma_start3A_79 = arith.constant 384 : i32
    %dma_start3A_80 = arith.constant 0 : i32
    %dma_start3A_81 = tpu.memref_slice %arg6[%dma_start3A_79, %dma_start3A_80] : memref<2048x32xf32, #tpu.memory_space<vmem>> -> memref<128x32xf32, #tpu.memory_space<vmem>>
    %dma_start3A_82 = arith.constant 0 : i32
    %dma_start3A_83 = tpu.memref_slice %arg5[%dma_start3A_78, %dma_start3A_82] : memref<16x128xi32, #tpu.memory_space<vmem>> -> memref<1x128xi32, #tpu.memory_space<vmem>>
    %dma_start3A_84 = tpu.memref_squeeze %dma_start3A_83 : memref<1x128xi32, #tpu.memory_space<vmem>> -> memref<128xi32, #tpu.memory_space<vmem>>
    %dma_start3A_85 = arith.constant 0 : i32
    %dma_start3A_86 = arith.constant 0 : i32
    %dma_start3A_87 = tpu.memref_slice %arg2[%dma_start3A_85, %dma_start3A_86] : memref<4096x32xf32, #tpu.memory_space<hbm>> -> memref<4096x32xf32, #tpu.memory_space<hbm>>
    tpu.enqueue_indirect_dma source(%dma_start3A_87 : memref<4096x32xf32, #tpu.memory_space<hbm>>) target(%dma_start3A_81 : memref<128x32xf32, #tpu.memory_space<vmem>>) offsets(%dma_start3A_84 : memref<128xi32, #tpu.memory_space<vmem>>) semaphore(%arg7 : memref<!tpu.dma_semaphore, #tpu.memory_space<semaphore_mem>>)
    %dma_start3A_88 = arith.constant 4 : i32
    %dma_start3A_89 = arith.constant 512 : i32
    %dma_start3A_90 = arith.constant 0 : i32
    %dma_start3A_91 = tpu.memref_slice %arg6[%dma_start3A_89, %dma_start3A_90] : memref<2048x32xf32, #tpu.memory_space<vmem>> -> memref<128x32xf32, #tpu.memory_space<vmem>>
    %dma_start3A_92 = arith.constant 0 : i32
    %dma_start3A_93 = tpu.memref_slice %arg5[%dma_start3A_88, %dma_start3A_92] : memref<16x128xi32, #tpu.memory_space<vmem>> -> memref<1x128xi32, #tpu.memory_space<vmem>>
    %dma_start3A_94 = tpu.memref_squeeze %dma_start3A_93 : memref<1x128xi32, #tpu.memory_space<vmem>> -> memref<128xi32, #tpu.memory_space<vmem>>
    %dma_start3A_95 = arith.constant 0 : i32
    %dma_start3A_96 = arith.constant 0 : i32
    %dma_start3A_97 = tpu.memref_slice %arg2[%dma_start3A_95, %dma_start3A_96] : memref<4096x32xf32, #tpu.memory_space<hbm>> -> memref<4096x32xf32, #tpu.memory_space<hbm>>
    tpu.enqueue_indirect_dma source(%dma_start3A_97 : memref<4096x32xf32, #tpu.memory_space<hbm>>) target(%dma_start3A_91 : memref<128x32xf32, #tpu.memory_space<vmem>>) offsets(%dma_start3A_94 : memref<128xi32, #tpu.memory_space<vmem>>) semaphore(%arg7 : memref<!tpu.dma_semaphore, #tpu.memory_space<semaphore_mem>>)
    %dma_start3A_98 = arith.constant 5 : i32
    %dma_start3A_99 = arith.constant 640 : i32
    %dma_start3A_100 = arith.constant 0 : i32
    %dma_start3A_101 = tpu.memref_slice %arg6[%dma_start3A_99, %dma_start3A_100] : memref<2048x32xf32, #tpu.memory_space<vmem>> -> memref<128x32xf32, #tpu.memory_space<vmem>>
    %dma_start3A_102 = arith.constant 0 : i32
    %dma_start3A_103 = tpu.memref_slice %arg5[%dma_start3A_98, %dma_start3A_102] : memref<16x128xi32, #tpu.memory_space<vmem>> -> memref<1x128xi32, #tpu.memory_space<vmem>>
    %dma_start3A_104 = tpu.memref_squeeze %dma_start3A_103 : memref<1x128xi32, #tpu.memory_space<vmem>> -> memref<128xi32, #tpu.memory_space<vmem>>
    %dma_start3A_105 = arith.constant 0 : i32
    %dma_start3A_106 = arith.constant 0 : i32
    %dma_start3A_107 = tpu.memref_slice %arg2[%dma_start3A_105, %dma_start3A_106] : memref<4096x32xf32, #tpu.memory_space<hbm>> -> memref<4096x32xf32, #tpu.memory_space<hbm>>
    tpu.enqueue_indirect_dma source(%dma_start3A_107 : memref<4096x32xf32, #tpu.memory_space<hbm>>) target(%dma_start3A_101 : memref<128x32xf32, #tpu.memory_space<vmem>>) offsets(%dma_start3A_104 : memref<128xi32, #tpu.memory_space<vmem>>) semaphore(%arg7 : memref<!tpu.dma_semaphore, #tpu.memory_space<semaphore_mem>>)
    %dma_start3A_108 = arith.constant 6 : i32
    %dma_start3A_109 = arith.constant 768 : i32
    %dma_start3A_110 = arith.constant 0 : i32
    %dma_start3A_111 = tpu.memref_slice %arg6[%dma_start3A_109, %dma_start3A_110] : memref<2048x32xf32, #tpu.memory_space<vmem>> -> memref<128x32xf32, #tpu.memory_space<vmem>>
    %dma_start3A_112 = arith.constant 0 : i32
    %dma_start3A_113 = tpu.memref_slice %arg5[%dma_start3A_108, %dma_start3A_112] : memref<16x128xi32, #tpu.memory_space<vmem>> -> memref<1x128xi32, #tpu.memory_space<vmem>>
    %dma_start3A_114 = tpu.memref_squeeze %dma_start3A_113 : memref<1x128xi32, #tpu.memory_space<vmem>> -> memref<128xi32, #tpu.memory_space<vmem>>
    %dma_start3A_115 = arith.constant 0 : i32
    %dma_start3A_116 = arith.constant 0 : i32
    %dma_start3A_117 = tpu.memref_slice %arg2[%dma_start3A_115, %dma_start3A_116] : memref<4096x32xf32, #tpu.memory_space<hbm>> -> memref<4096x32xf32, #tpu.memory_space<hbm>>
    tpu.enqueue_indirect_dma source(%dma_start3A_117 : memref<4096x32xf32, #tpu.memory_space<hbm>>) target(%dma_start3A_111 : memref<128x32xf32, #tpu.memory_space<vmem>>) offsets(%dma_start3A_114 : memref<128xi32, #tpu.memory_space<vmem>>) semaphore(%arg7 : memref<!tpu.dma_semaphore, #tpu.memory_space<semaphore_mem>>)
    %dma_start3A_118 = arith.constant 7 : i32
    %dma_start3A_119 = arith.constant 896 : i32
    %dma_start3A_120 = arith.constant 0 : i32
    %dma_start3A_121 = tpu.memref_slice %arg6[%dma_start3A_119, %dma_start3A_120] : memref<2048x32xf32, #tpu.memory_space<vmem>> -> memref<128x32xf32, #tpu.memory_space<vmem>>
    %dma_start3A_122 = arith.constant 0 : i32
    %dma_start3A_123 = tpu.memref_slice %arg5[%dma_start3A_118, %dma_start3A_122] : memref<16x128xi32, #tpu.memory_space<vmem>> -> memref<1x128xi32, #tpu.memory_space<vmem>>
    %dma_start3A_124 = tpu.memref_squeeze %dma_start3A_123 : memref<1x128xi32, #tpu.memory_space<vmem>> -> memref<128xi32, #tpu.memory_space<vmem>>
    %dma_start3A_125 = arith.constant 0 : i32
    %dma_start3A_126 = arith.constant 0 : i32
    %dma_start3A_127 = tpu.memref_slice %arg2[%dma_start3A_125, %dma_start3A_126] : memref<4096x32xf32, #tpu.memory_space<hbm>> -> memref<4096x32xf32, #tpu.memory_space<hbm>>
    tpu.enqueue_indirect_dma source(%dma_start3A_127 : memref<4096x32xf32, #tpu.memory_space<hbm>>) target(%dma_start3A_121 : memref<128x32xf32, #tpu.memory_space<vmem>>) offsets(%dma_start3A_124 : memref<128xi32, #tpu.memory_space<vmem>>) semaphore(%arg7 : memref<!tpu.dma_semaphore, #tpu.memory_space<semaphore_mem>>)
    %dma_start3A_128 = arith.constant 8 : i32
    %dma_start3A_129 = arith.constant 1024 : i32
    %dma_start3A_130 = arith.constant 0 : i32
    %dma_start3A_131 = tpu.memref_slice %arg6[%dma_start3A_129, %dma_start3A_130] : memref<2048x32xf32, #tpu.memory_space<vmem>> -> memref<128x32xf32, #tpu.memory_space<vmem>>
    %dma_start3A_132 = arith.constant 0 : i32
    %dma_start3A_133 = tpu.memref_slice %arg5[%dma_start3A_128, %dma_start3A_132] : memref<16x128xi32, #tpu.memory_space<vmem>> -> memref<1x128xi32, #tpu.memory_space<vmem>>
    %dma_start3A_134 = tpu.memref_squeeze %dma_start3A_133 : memref<1x128xi32, #tpu.memory_space<vmem>> -> memref<128xi32, #tpu.memory_space<vmem>>
    %dma_start3A_135 = arith.constant 0 : i32
    %dma_start3A_136 = arith.constant 0 : i32
    %dma_start3A_137 = tpu.memref_slice %arg2[%dma_start3A_135, %dma_start3A_136] : memref<4096x32xf32, #tpu.memory_space<hbm>> -> memref<4096x32xf32, #tpu.memory_space<hbm>>
    tpu.enqueue_indirect_dma source(%dma_start3A_137 : memref<4096x32xf32, #tpu.memory_space<hbm>>) target(%dma_start3A_131 : memref<128x32xf32, #tpu.memory_space<vmem>>) offsets(%dma_start3A_134 : memref<128xi32, #tpu.memory_space<vmem>>) semaphore(%arg7 : memref<!tpu.dma_semaphore, #tpu.memory_space<semaphore_mem>>)
    %dma_start3A_138 = arith.constant 9 : i32
    %dma_start3A_139 = arith.constant 1152 : i32
    %dma_start3A_140 = arith.constant 0 : i32
    %dma_start3A_141 = tpu.memref_slice %arg6[%dma_start3A_139, %dma_start3A_140] : memref<2048x32xf32, #tpu.memory_space<vmem>> -> memref<128x32xf32, #tpu.memory_space<vmem>>
    %dma_start3A_142 = arith.constant 0 : i32
    %dma_start3A_143 = tpu.memref_slice %arg5[%dma_start3A_138, %dma_start3A_142] : memref<16x128xi32, #tpu.memory_space<vmem>> -> memref<1x128xi32, #tpu.memory_space<vmem>>
    %dma_start3A_144 = tpu.memref_squeeze %dma_start3A_143 : memref<1x128xi32, #tpu.memory_space<vmem>> -> memref<128xi32, #tpu.memory_space<vmem>>
    %dma_start3A_145 = arith.constant 0 : i32
    %dma_start3A_146 = arith.constant 0 : i32
    %dma_start3A_147 = tpu.memref_slice %arg2[%dma_start3A_145, %dma_start3A_146] : memref<4096x32xf32, #tpu.memory_space<hbm>> -> memref<4096x32xf32, #tpu.memory_space<hbm>>
    tpu.enqueue_indirect_dma source(%dma_start3A_147 : memref<4096x32xf32, #tpu.memory_space<hbm>>) target(%dma_start3A_141 : memref<128x32xf32, #tpu.memory_space<vmem>>) offsets(%dma_start3A_144 : memref<128xi32, #tpu.memory_space<vmem>>) semaphore(%arg7 : memref<!tpu.dma_semaphore, #tpu.memory_space<semaphore_mem>>)
    %dma_start3A_148 = arith.constant 10 : i32
    %dma_start3A_149 = arith.constant 1280 : i32
    %dma_start3A_150 = arith.constant 0 : i32
    %dma_start3A_151 = tpu.memref_slice %arg6[%dma_start3A_149, %dma_start3A_150] : memref<2048x32xf32, #tpu.memory_space<vmem>> -> memref<128x32xf32, #tpu.memory_space<vmem>>
    %dma_start3A_152 = arith.constant 0 : i32
    %dma_start3A_153 = tpu.memref_slice %arg5[%dma_start3A_148, %dma_start3A_152] : memref<16x128xi32, #tpu.memory_space<vmem>> -> memref<1x128xi32, #tpu.memory_space<vmem>>
    %dma_start3A_154 = tpu.memref_squeeze %dma_start3A_153 : memref<1x128xi32, #tpu.memory_space<vmem>> -> memref<128xi32, #tpu.memory_space<vmem>>
    %dma_start3A_155 = arith.constant 0 : i32
    %dma_start3A_156 = arith.constant 0 : i32
    %dma_start3A_157 = tpu.memref_slice %arg2[%dma_start3A_155, %dma_start3A_156] : memref<4096x32xf32, #tpu.memory_space<hbm>> -> memref<4096x32xf32, #tpu.memory_space<hbm>>
    tpu.enqueue_indirect_dma source(%dma_start3A_157 : memref<4096x32xf32, #tpu.memory_space<hbm>>) target(%dma_start3A_151 : memref<128x32xf32, #tpu.memory_space<vmem>>) offsets(%dma_start3A_154 : memref<128xi32, #tpu.memory_space<vmem>>) semaphore(%arg7 : memref<!tpu.dma_semaphore, #tpu.memory_space<semaphore_mem>>)
    %dma_start3A_158 = arith.constant 11 : i32
    %dma_start3A_159 = arith.constant 1408 : i32
    %dma_start3A_160 = arith.constant 0 : i32
    %dma_start3A_161 = tpu.memref_slice %arg6[%dma_start3A_159, %dma_start3A_160] : memref<2048x32xf32, #tpu.memory_space<vmem>> -> memref<128x32xf32, #tpu.memory_space<vmem>>
    %dma_start3A_162 = arith.constant 0 : i32
    %dma_start3A_163 = tpu.memref_slice %arg5[%dma_start3A_158, %dma_start3A_162] : memref<16x128xi32, #tpu.memory_space<vmem>> -> memref<1x128xi32, #tpu.memory_space<vmem>>
    %dma_start3A_164 = tpu.memref_squeeze %dma_start3A_163 : memref<1x128xi32, #tpu.memory_space<vmem>> -> memref<128xi32, #tpu.memory_space<vmem>>
    %dma_start3A_165 = arith.constant 0 : i32
    %dma_start3A_166 = arith.constant 0 : i32
    %dma_start3A_167 = tpu.memref_slice %arg2[%dma_start3A_165, %dma_start3A_166] : memref<4096x32xf32, #tpu.memory_space<hbm>> -> memref<4096x32xf32, #tpu.memory_space<hbm>>
    tpu.enqueue_indirect_dma source(%dma_start3A_167 : memref<4096x32xf32, #tpu.memory_space<hbm>>) target(%dma_start3A_161 : memref<128x32xf32, #tpu.memory_space<vmem>>) offsets(%dma_start3A_164 : memref<128xi32, #tpu.memory_space<vmem>>) semaphore(%arg7 : memref<!tpu.dma_semaphore, #tpu.memory_space<semaphore_mem>>)
    %dma_start3A_168 = arith.constant 12 : i32
    %dma_start3A_169 = arith.constant 1536 : i32
    %dma_start3A_170 = arith.constant 0 : i32
    %dma_start3A_171 = tpu.memref_slice %arg6[%dma_start3A_169, %dma_start3A_170] : memref<2048x32xf32, #tpu.memory_space<vmem>> -> memref<128x32xf32, #tpu.memory_space<vmem>>
    %dma_start3A_172 = arith.constant 0 : i32
    %dma_start3A_173 = tpu.memref_slice %arg5[%dma_start3A_168, %dma_start3A_172] : memref<16x128xi32, #tpu.memory_space<vmem>> -> memref<1x128xi32, #tpu.memory_space<vmem>>
    %dma_start3A_174 = tpu.memref_squeeze %dma_start3A_173 : memref<1x128xi32, #tpu.memory_space<vmem>> -> memref<128xi32, #tpu.memory_space<vmem>>
    %dma_start3A_175 = arith.constant 0 : i32
    %dma_start3A_176 = arith.constant 0 : i32
    %dma_start3A_177 = tpu.memref_slice %arg2[%dma_start3A_175, %dma_start3A_176] : memref<4096x32xf32, #tpu.memory_space<hbm>> -> memref<4096x32xf32, #tpu.memory_space<hbm>>
    tpu.enqueue_indirect_dma source(%dma_start3A_177 : memref<4096x32xf32, #tpu.memory_space<hbm>>) target(%dma_start3A_171 : memref<128x32xf32, #tpu.memory_space<vmem>>) offsets(%dma_start3A_174 : memref<128xi32, #tpu.memory_space<vmem>>) semaphore(%arg7 : memref<!tpu.dma_semaphore, #tpu.memory_space<semaphore_mem>>)
    %dma_start3A_178 = arith.constant 13 : i32
    %dma_start3A_179 = arith.constant 1664 : i32
    %dma_start3A_180 = arith.constant 0 : i32
    %dma_start3A_181 = tpu.memref_slice %arg6[%dma_start3A_179, %dma_start3A_180] : memref<2048x32xf32, #tpu.memory_space<vmem>> -> memref<128x32xf32, #tpu.memory_space<vmem>>
    %dma_start3A_182 = arith.constant 0 : i32
    %dma_start3A_183 = tpu.memref_slice %arg5[%dma_start3A_178, %dma_start3A_182] : memref<16x128xi32, #tpu.memory_space<vmem>> -> memref<1x128xi32, #tpu.memory_space<vmem>>
    %dma_start3A_184 = tpu.memref_squeeze %dma_start3A_183 : memref<1x128xi32, #tpu.memory_space<vmem>> -> memref<128xi32, #tpu.memory_space<vmem>>
    %dma_start3A_185 = arith.constant 0 : i32
    %dma_start3A_186 = arith.constant 0 : i32
    %dma_start3A_187 = tpu.memref_slice %arg2[%dma_start3A_185, %dma_start3A_186] : memref<4096x32xf32, #tpu.memory_space<hbm>> -> memref<4096x32xf32, #tpu.memory_space<hbm>>
    tpu.enqueue_indirect_dma source(%dma_start3A_187 : memref<4096x32xf32, #tpu.memory_space<hbm>>) target(%dma_start3A_181 : memref<128x32xf32, #tpu.memory_space<vmem>>) offsets(%dma_start3A_184 : memref<128xi32, #tpu.memory_space<vmem>>) semaphore(%arg7 : memref<!tpu.dma_semaphore, #tpu.memory_space<semaphore_mem>>)
    %dma_start3A_188 = arith.constant 14 : i32
    %dma_start3A_189 = arith.constant 1792 : i32
    %dma_start3A_190 = arith.constant 0 : i32
    %dma_start3A_191 = tpu.memref_slice %arg6[%dma_start3A_189, %dma_start3A_190] : memref<2048x32xf32, #tpu.memory_space<vmem>> -> memref<128x32xf32, #tpu.memory_space<vmem>>
    %dma_start3A_192 = arith.constant 0 : i32
    %dma_start3A_193 = tpu.memref_slice %arg5[%dma_start3A_188, %dma_start3A_192] : memref<16x128xi32, #tpu.memory_space<vmem>> -> memref<1x128xi32, #tpu.memory_space<vmem>>
    %dma_start3A_194 = tpu.memref_squeeze %dma_start3A_193 : memref<1x128xi32, #tpu.memory_space<vmem>> -> memref<128xi32, #tpu.memory_space<vmem>>
    %dma_start3A_195 = arith.constant 0 : i32
    %dma_start3A_196 = arith.constant 0 : i32
    %dma_start3A_197 = tpu.memref_slice %arg2[%dma_start3A_195, %dma_start3A_196] : memref<4096x32xf32, #tpu.memory_space<hbm>> -> memref<4096x32xf32, #tpu.memory_space<hbm>>
    tpu.enqueue_indirect_dma source(%dma_start3A_197 : memref<4096x32xf32, #tpu.memory_space<hbm>>) target(%dma_start3A_191 : memref<128x32xf32, #tpu.memory_space<vmem>>) offsets(%dma_start3A_194 : memref<128xi32, #tpu.memory_space<vmem>>) semaphore(%arg7 : memref<!tpu.dma_semaphore, #tpu.memory_space<semaphore_mem>>)
    %dma_start3A_198 = arith.constant 15 : i32
    %dma_start3A_199 = arith.constant 1920 : i32
    %dma_start3A_200 = arith.constant 0 : i32
    %dma_start3A_201 = tpu.memref_slice %arg6[%dma_start3A_199, %dma_start3A_200] : memref<2048x32xf32, #tpu.memory_space<vmem>> -> memref<128x32xf32, #tpu.memory_space<vmem>>
    %dma_start3A_202 = arith.constant 0 : i32
    %dma_start3A_203 = tpu.memref_slice %arg5[%dma_start3A_198, %dma_start3A_202] : memref<16x128xi32, #tpu.memory_space<vmem>> -> memref<1x128xi32, #tpu.memory_space<vmem>>
    %dma_start3A_204 = tpu.memref_squeeze %dma_start3A_203 : memref<1x128xi32, #tpu.memory_space<vmem>> -> memref<128xi32, #tpu.memory_space<vmem>>
    %dma_start3A_205 = arith.constant 0 : i32
    %dma_start3A_206 = arith.constant 0 : i32
    %dma_start3A_207 = tpu.memref_slice %arg2[%dma_start3A_205, %dma_start3A_206] : memref<4096x32xf32, #tpu.memory_space<hbm>> -> memref<4096x32xf32, #tpu.memory_space<hbm>>
    tpu.enqueue_indirect_dma source(%dma_start3A_207 : memref<4096x32xf32, #tpu.memory_space<hbm>>) target(%dma_start3A_201 : memref<128x32xf32, #tpu.memory_space<vmem>>) offsets(%dma_start3A_204 : memref<128xi32, #tpu.memory_space<vmem>>) semaphore(%arg7 : memref<!tpu.dma_semaphore, #tpu.memory_space<semaphore_mem>>)
    %dma_wait3A = arith.constant 0 : i32
    %dma_wait3A_208 = arith.constant 0 : i32
    %dma_wait3A_209 = arith.constant 0 : i32
    %dma_wait3A_210 = tpu.memref_slice %arg6[%dma_wait3A_208, %dma_wait3A_209] : memref<2048x32xf32, #tpu.memory_space<vmem>> -> memref<128x32xf32, #tpu.memory_space<vmem>>
    %dma_wait3A_211 = arith.constant 0 : i32
    %dma_wait3A_212 = tpu.memref_slice %arg5[%dma_wait3A, %dma_wait3A_211] : memref<16x128xi32, #tpu.memory_space<vmem>> -> memref<1x128xi32, #tpu.memory_space<vmem>>
    %dma_wait3A_213 = tpu.memref_squeeze %dma_wait3A_212 : memref<1x128xi32, #tpu.memory_space<vmem>> -> memref<128xi32, #tpu.memory_space<vmem>>
    %dma_wait3A_214 = arith.constant 0 : i32
    %dma_wait3A_215 = arith.constant 0 : i32
    %dma_wait3A_216 = tpu.memref_slice %arg2[%dma_wait3A_214, %dma_wait3A_215] : memref<4096x32xf32, #tpu.memory_space<hbm>> -> memref<4096x32xf32, #tpu.memory_space<hbm>>
    tpu.wait_indirect_dma semaphore(%arg7 : memref<!tpu.dma_semaphore, #tpu.memory_space<semaphore_mem>>) src(%dma_wait3A_216 : memref<4096x32xf32, #tpu.memory_space<hbm>>) dst(%dma_wait3A_210 : memref<128x32xf32, #tpu.memory_space<vmem>>)
    %dma_wait3A_217 = arith.constant 1 : i32
    %dma_wait3A_218 = arith.constant 128 : i32
    %dma_wait3A_219 = arith.constant 0 : i32
    %dma_wait3A_220 = tpu.memref_slice %arg6[%dma_wait3A_218, %dma_wait3A_219] : memref<2048x32xf32, #tpu.memory_space<vmem>> -> memref<128x32xf32, #tpu.memory_space<vmem>>
    %dma_wait3A_221 = arith.constant 0 : i32
    %dma_wait3A_222 = tpu.memref_slice %arg5[%dma_wait3A_217, %dma_wait3A_221] : memref<16x128xi32, #tpu.memory_space<vmem>> -> memref<1x128xi32, #tpu.memory_space<vmem>>
    %dma_wait3A_223 = tpu.memref_squeeze %dma_wait3A_222 : memref<1x128xi32, #tpu.memory_space<vmem>> -> memref<128xi32, #tpu.memory_space<vmem>>
    %dma_wait3A_224 = arith.constant 0 : i32
    %dma_wait3A_225 = arith.constant 0 : i32
    %dma_wait3A_226 = tpu.memref_slice %arg2[%dma_wait3A_224, %dma_wait3A_225] : memref<4096x32xf32, #tpu.memory_space<hbm>> -> memref<4096x32xf32, #tpu.memory_space<hbm>>
    tpu.wait_indirect_dma semaphore(%arg7 : memref<!tpu.dma_semaphore, #tpu.memory_space<semaphore_mem>>) src(%dma_wait3A_226 : memref<4096x32xf32, #tpu.memory_space<hbm>>) dst(%dma_wait3A_220 : memref<128x32xf32, #tpu.memory_space<vmem>>)
    %dma_wait3A_227 = arith.constant 2 : i32
    %dma_wait3A_228 = arith.constant 256 : i32
    %dma_wait3A_229 = arith.constant 0 : i32
    %dma_wait3A_230 = tpu.memref_slice %arg6[%dma_wait3A_228, %dma_wait3A_229] : memref<2048x32xf32, #tpu.memory_space<vmem>> -> memref<128x32xf32, #tpu.memory_space<vmem>>
    %dma_wait3A_231 = arith.constant 0 : i32
    %dma_wait3A_232 = tpu.memref_slice %arg5[%dma_wait3A_227, %dma_wait3A_231] : memref<16x128xi32, #tpu.memory_space<vmem>> -> memref<1x128xi32, #tpu.memory_space<vmem>>
    %dma_wait3A_233 = tpu.memref_squeeze %dma_wait3A_232 : memref<1x128xi32, #tpu.memory_space<vmem>> -> memref<128xi32, #tpu.memory_space<vmem>>
    %dma_wait3A_234 = arith.constant 0 : i32
    %dma_wait3A_235 = arith.constant 0 : i32
    %dma_wait3A_236 = tpu.memref_slice %arg2[%dma_wait3A_234, %dma_wait3A_235] : memref<4096x32xf32, #tpu.memory_space<hbm>> -> memref<4096x32xf32, #tpu.memory_space<hbm>>
    tpu.wait_indirect_dma semaphore(%arg7 : memref<!tpu.dma_semaphore, #tpu.memory_space<semaphore_mem>>) src(%dma_wait3A_236 : memref<4096x32xf32, #tpu.memory_space<hbm>>) dst(%dma_wait3A_230 : memref<128x32xf32, #tpu.memory_space<vmem>>)
    %dma_wait3A_237 = arith.constant 3 : i32
    %dma_wait3A_238 = arith.constant 384 : i32
    %dma_wait3A_239 = arith.constant 0 : i32
    %dma_wait3A_240 = tpu.memref_slice %arg6[%dma_wait3A_238, %dma_wait3A_239] : memref<2048x32xf32, #tpu.memory_space<vmem>> -> memref<128x32xf32, #tpu.memory_space<vmem>>
    %dma_wait3A_241 = arith.constant 0 : i32
    %dma_wait3A_242 = tpu.memref_slice %arg5[%dma_wait3A_237, %dma_wait3A_241] : memref<16x128xi32, #tpu.memory_space<vmem>> -> memref<1x128xi32, #tpu.memory_space<vmem>>
    %dma_wait3A_243 = tpu.memref_squeeze %dma_wait3A_242 : memref<1x128xi32, #tpu.memory_space<vmem>> -> memref<128xi32, #tpu.memory_space<vmem>>
    %dma_wait3A_244 = arith.constant 0 : i32
    %dma_wait3A_245 = arith.constant 0 : i32
    %dma_wait3A_246 = tpu.memref_slice %arg2[%dma_wait3A_244, %dma_wait3A_245] : memref<4096x32xf32, #tpu.memory_space<hbm>> -> memref<4096x32xf32, #tpu.memory_space<hbm>>
    tpu.wait_indirect_dma semaphore(%arg7 : memref<!tpu.dma_semaphore, #tpu.memory_space<semaphore_mem>>) src(%dma_wait3A_246 : memref<4096x32xf32, #tpu.memory_space<hbm>>) dst(%dma_wait3A_240 : memref<128x32xf32, #tpu.memory_space<vmem>>)
    %dma_wait3A_247 = arith.constant 4 : i32
    %dma_wait3A_248 = arith.constant 512 : i32
    %dma_wait3A_249 = arith.constant 0 : i32
    %dma_wait3A_250 = tpu.memref_slice %arg6[%dma_wait3A_248, %dma_wait3A_249] : memref<2048x32xf32, #tpu.memory_space<vmem>> -> memref<128x32xf32, #tpu.memory_space<vmem>>
    %dma_wait3A_251 = arith.constant 0 : i32
    %dma_wait3A_252 = tpu.memref_slice %arg5[%dma_wait3A_247, %dma_wait3A_251] : memref<16x128xi32, #tpu.memory_space<vmem>> -> memref<1x128xi32, #tpu.memory_space<vmem>>
    %dma_wait3A_253 = tpu.memref_squeeze %dma_wait3A_252 : memref<1x128xi32, #tpu.memory_space<vmem>> -> memref<128xi32, #tpu.memory_space<vmem>>
    %dma_wait3A_254 = arith.constant 0 : i32
    %dma_wait3A_255 = arith.constant 0 : i32
    %dma_wait3A_256 = tpu.memref_slice %arg2[%dma_wait3A_254, %dma_wait3A_255] : memref<4096x32xf32, #tpu.memory_space<hbm>> -> memref<4096x32xf32, #tpu.memory_space<hbm>>
    tpu.wait_indirect_dma semaphore(%arg7 : memref<!tpu.dma_semaphore, #tpu.memory_space<semaphore_mem>>) src(%dma_wait3A_256 : memref<4096x32xf32, #tpu.memory_space<hbm>>) dst(%dma_wait3A_250 : memref<128x32xf32, #tpu.memory_space<vmem>>)
    %dma_wait3A_257 = arith.constant 5 : i32
    %dma_wait3A_258 = arith.constant 640 : i32
    %dma_wait3A_259 = arith.constant 0 : i32
    %dma_wait3A_260 = tpu.memref_slice %arg6[%dma_wait3A_258, %dma_wait3A_259] : memref<2048x32xf32, #tpu.memory_space<vmem>> -> memref<128x32xf32, #tpu.memory_space<vmem>>
    %dma_wait3A_261 = arith.constant 0 : i32
    %dma_wait3A_262 = tpu.memref_slice %arg5[%dma_wait3A_257, %dma_wait3A_261] : memref<16x128xi32, #tpu.memory_space<vmem>> -> memref<1x128xi32, #tpu.memory_space<vmem>>
    %dma_wait3A_263 = tpu.memref_squeeze %dma_wait3A_262 : memref<1x128xi32, #tpu.memory_space<vmem>> -> memref<128xi32, #tpu.memory_space<vmem>>
    %dma_wait3A_264 = arith.constant 0 : i32
    %dma_wait3A_265 = arith.constant 0 : i32
    %dma_wait3A_266 = tpu.memref_slice %arg2[%dma_wait3A_264, %dma_wait3A_265] : memref<4096x32xf32, #tpu.memory_space<hbm>> -> memref<4096x32xf32, #tpu.memory_space<hbm>>
    tpu.wait_indirect_dma semaphore(%arg7 : memref<!tpu.dma_semaphore, #tpu.memory_space<semaphore_mem>>) src(%dma_wait3A_266 : memref<4096x32xf32, #tpu.memory_space<hbm>>) dst(%dma_wait3A_260 : memref<128x32xf32, #tpu.memory_space<vmem>>)
    %dma_wait3A_267 = arith.constant 6 : i32
    %dma_wait3A_268 = arith.constant 768 : i32
    %dma_wait3A_269 = arith.constant 0 : i32
    %dma_wait3A_270 = tpu.memref_slice %arg6[%dma_wait3A_268, %dma_wait3A_269] : memref<2048x32xf32, #tpu.memory_space<vmem>> -> memref<128x32xf32, #tpu.memory_space<vmem>>
    %dma_wait3A_271 = arith.constant 0 : i32
    %dma_wait3A_272 = tpu.memref_slice %arg5[%dma_wait3A_267, %dma_wait3A_271] : memref<16x128xi32, #tpu.memory_space<vmem>> -> memref<1x128xi32, #tpu.memory_space<vmem>>
    %dma_wait3A_273 = tpu.memref_squeeze %dma_wait3A_272 : memref<1x128xi32, #tpu.memory_space<vmem>> -> memref<128xi32, #tpu.memory_space<vmem>>
    %dma_wait3A_274 = arith.constant 0 : i32
    %dma_wait3A_275 = arith.constant 0 : i32
    %dma_wait3A_276 = tpu.memref_slice %arg2[%dma_wait3A_274, %dma_wait3A_275] : memref<4096x32xf32, #tpu.memory_space<hbm>> -> memref<4096x32xf32, #tpu.memory_space<hbm>>
    tpu.wait_indirect_dma semaphore(%arg7 : memref<!tpu.dma_semaphore, #tpu.memory_space<semaphore_mem>>) src(%dma_wait3A_276 : memref<4096x32xf32, #tpu.memory_space<hbm>>) dst(%dma_wait3A_270 : memref<128x32xf32, #tpu.memory_space<vmem>>)
    %dma_wait3A_277 = arith.constant 7 : i32
    %dma_wait3A_278 = arith.constant 896 : i32
    %dma_wait3A_279 = arith.constant 0 : i32
    %dma_wait3A_280 = tpu.memref_slice %arg6[%dma_wait3A_278, %dma_wait3A_279] : memref<2048x32xf32, #tpu.memory_space<vmem>> -> memref<128x32xf32, #tpu.memory_space<vmem>>
    %dma_wait3A_281 = arith.constant 0 : i32
    %dma_wait3A_282 = tpu.memref_slice %arg5[%dma_wait3A_277, %dma_wait3A_281] : memref<16x128xi32, #tpu.memory_space<vmem>> -> memref<1x128xi32, #tpu.memory_space<vmem>>
    %dma_wait3A_283 = tpu.memref_squeeze %dma_wait3A_282 : memref<1x128xi32, #tpu.memory_space<vmem>> -> memref<128xi32, #tpu.memory_space<vmem>>
    %dma_wait3A_284 = arith.constant 0 : i32
    %dma_wait3A_285 = arith.constant 0 : i32
    %dma_wait3A_286 = tpu.memref_slice %arg2[%dma_wait3A_284, %dma_wait3A_285] : memref<4096x32xf32, #tpu.memory_space<hbm>> -> memref<4096x32xf32, #tpu.memory_space<hbm>>
    tpu.wait_indirect_dma semaphore(%arg7 : memref<!tpu.dma_semaphore, #tpu.memory_space<semaphore_mem>>) src(%dma_wait3A_286 : memref<4096x32xf32, #tpu.memory_space<hbm>>) dst(%dma_wait3A_280 : memref<128x32xf32, #tpu.memory_space<vmem>>)
    %dma_wait3A_287 = arith.constant 8 : i32
    %dma_wait3A_288 = arith.constant 1024 : i32
    %dma_wait3A_289 = arith.constant 0 : i32
    %dma_wait3A_290 = tpu.memref_slice %arg6[%dma_wait3A_288, %dma_wait3A_289] : memref<2048x32xf32, #tpu.memory_space<vmem>> -> memref<128x32xf32, #tpu.memory_space<vmem>>
    %dma_wait3A_291 = arith.constant 0 : i32
    %dma_wait3A_292 = tpu.memref_slice %arg5[%dma_wait3A_287, %dma_wait3A_291] : memref<16x128xi32, #tpu.memory_space<vmem>> -> memref<1x128xi32, #tpu.memory_space<vmem>>
    %dma_wait3A_293 = tpu.memref_squeeze %dma_wait3A_292 : memref<1x128xi32, #tpu.memory_space<vmem>> -> memref<128xi32, #tpu.memory_space<vmem>>
    %dma_wait3A_294 = arith.constant 0 : i32
    %dma_wait3A_295 = arith.constant 0 : i32
    %dma_wait3A_296 = tpu.memref_slice %arg2[%dma_wait3A_294, %dma_wait3A_295] : memref<4096x32xf32, #tpu.memory_space<hbm>> -> memref<4096x32xf32, #tpu.memory_space<hbm>>
    tpu.wait_indirect_dma semaphore(%arg7 : memref<!tpu.dma_semaphore, #tpu.memory_space<semaphore_mem>>) src(%dma_wait3A_296 : memref<4096x32xf32, #tpu.memory_space<hbm>>) dst(%dma_wait3A_290 : memref<128x32xf32, #tpu.memory_space<vmem>>)
    %dma_wait3A_297 = arith.constant 9 : i32
    %dma_wait3A_298 = arith.constant 1152 : i32
    %dma_wait3A_299 = arith.constant 0 : i32
    %dma_wait3A_300 = tpu.memref_slice %arg6[%dma_wait3A_298, %dma_wait3A_299] : memref<2048x32xf32, #tpu.memory_space<vmem>> -> memref<128x32xf32, #tpu.memory_space<vmem>>
    %dma_wait3A_301 = arith.constant 0 : i32
    %dma_wait3A_302 = tpu.memref_slice %arg5[%dma_wait3A_297, %dma_wait3A_301] : memref<16x128xi32, #tpu.memory_space<vmem>> -> memref<1x128xi32, #tpu.memory_space<vmem>>
    %dma_wait3A_303 = tpu.memref_squeeze %dma_wait3A_302 : memref<1x128xi32, #tpu.memory_space<vmem>> -> memref<128xi32, #tpu.memory_space<vmem>>
    %dma_wait3A_304 = arith.constant 0 : i32
    %dma_wait3A_305 = arith.constant 0 : i32
    %dma_wait3A_306 = tpu.memref_slice %arg2[%dma_wait3A_304, %dma_wait3A_305] : memref<4096x32xf32, #tpu.memory_space<hbm>> -> memref<4096x32xf32, #tpu.memory_space<hbm>>
    tpu.wait_indirect_dma semaphore(%arg7 : memref<!tpu.dma_semaphore, #tpu.memory_space<semaphore_mem>>) src(%dma_wait3A_306 : memref<4096x32xf32, #tpu.memory_space<hbm>>) dst(%dma_wait3A_300 : memref<128x32xf32, #tpu.memory_space<vmem>>)
    %dma_wait3A_307 = arith.constant 10 : i32
    %dma_wait3A_308 = arith.constant 1280 : i32
    %dma_wait3A_309 = arith.constant 0 : i32
    %dma_wait3A_310 = tpu.memref_slice %arg6[%dma_wait3A_308, %dma_wait3A_309] : memref<2048x32xf32, #tpu.memory_space<vmem>> -> memref<128x32xf32, #tpu.memory_space<vmem>>
    %dma_wait3A_311 = arith.constant 0 : i32
    %dma_wait3A_312 = tpu.memref_slice %arg5[%dma_wait3A_307, %dma_wait3A_311] : memref<16x128xi32, #tpu.memory_space<vmem>> -> memref<1x128xi32, #tpu.memory_space<vmem>>
    %dma_wait3A_313 = tpu.memref_squeeze %dma_wait3A_312 : memref<1x128xi32, #tpu.memory_space<vmem>> -> memref<128xi32, #tpu.memory_space<vmem>>
    %dma_wait3A_314 = arith.constant 0 : i32
    %dma_wait3A_315 = arith.constant 0 : i32
    %dma_wait3A_316 = tpu.memref_slice %arg2[%dma_wait3A_314, %dma_wait3A_315] : memref<4096x32xf32, #tpu.memory_space<hbm>> -> memref<4096x32xf32, #tpu.memory_space<hbm>>
    tpu.wait_indirect_dma semaphore(%arg7 : memref<!tpu.dma_semaphore, #tpu.memory_space<semaphore_mem>>) src(%dma_wait3A_316 : memref<4096x32xf32, #tpu.memory_space<hbm>>) dst(%dma_wait3A_310 : memref<128x32xf32, #tpu.memory_space<vmem>>)
    %dma_wait3A_317 = arith.constant 11 : i32
    %dma_wait3A_318 = arith.constant 1408 : i32
    %dma_wait3A_319 = arith.constant 0 : i32
    %dma_wait3A_320 = tpu.memref_slice %arg6[%dma_wait3A_318, %dma_wait3A_319] : memref<2048x32xf32, #tpu.memory_space<vmem>> -> memref<128x32xf32, #tpu.memory_space<vmem>>
    %dma_wait3A_321 = arith.constant 0 : i32
    %dma_wait3A_322 = tpu.memref_slice %arg5[%dma_wait3A_317, %dma_wait3A_321] : memref<16x128xi32, #tpu.memory_space<vmem>> -> memref<1x128xi32, #tpu.memory_space<vmem>>
    %dma_wait3A_323 = tpu.memref_squeeze %dma_wait3A_322 : memref<1x128xi32, #tpu.memory_space<vmem>> -> memref<128xi32, #tpu.memory_space<vmem>>
    %dma_wait3A_324 = arith.constant 0 : i32
    %dma_wait3A_325 = arith.constant 0 : i32
    %dma_wait3A_326 = tpu.memref_slice %arg2[%dma_wait3A_324, %dma_wait3A_325] : memref<4096x32xf32, #tpu.memory_space<hbm>> -> memref<4096x32xf32, #tpu.memory_space<hbm>>
    tpu.wait_indirect_dma semaphore(%arg7 : memref<!tpu.dma_semaphore, #tpu.memory_space<semaphore_mem>>) src(%dma_wait3A_326 : memref<4096x32xf32, #tpu.memory_space<hbm>>) dst(%dma_wait3A_320 : memref<128x32xf32, #tpu.memory_space<vmem>>)
    %dma_wait3A_327 = arith.constant 12 : i32
    %dma_wait3A_328 = arith.constant 1536 : i32
    %dma_wait3A_329 = arith.constant 0 : i32
    %dma_wait3A_330 = tpu.memref_slice %arg6[%dma_wait3A_328, %dma_wait3A_329] : memref<2048x32xf32, #tpu.memory_space<vmem>> -> memref<128x32xf32, #tpu.memory_space<vmem>>
    %dma_wait3A_331 = arith.constant 0 : i32
    %dma_wait3A_332 = tpu.memref_slice %arg5[%dma_wait3A_327, %dma_wait3A_331] : memref<16x128xi32, #tpu.memory_space<vmem>> -> memref<1x128xi32, #tpu.memory_space<vmem>>
    %dma_wait3A_333 = tpu.memref_squeeze %dma_wait3A_332 : memref<1x128xi32, #tpu.memory_space<vmem>> -> memref<128xi32, #tpu.memory_space<vmem>>
    %dma_wait3A_334 = arith.constant 0 : i32
    %dma_wait3A_335 = arith.constant 0 : i32
    %dma_wait3A_336 = tpu.memref_slice %arg2[%dma_wait3A_334, %dma_wait3A_335] : memref<4096x32xf32, #tpu.memory_space<hbm>> -> memref<4096x32xf32, #tpu.memory_space<hbm>>
    tpu.wait_indirect_dma semaphore(%arg7 : memref<!tpu.dma_semaphore, #tpu.memory_space<semaphore_mem>>) src(%dma_wait3A_336 : memref<4096x32xf32, #tpu.memory_space<hbm>>) dst(%dma_wait3A_330 : memref<128x32xf32, #tpu.memory_space<vmem>>)
    %dma_wait3A_337 = arith.constant 13 : i32
    %dma_wait3A_338 = arith.constant 1664 : i32
    %dma_wait3A_339 = arith.constant 0 : i32
    %dma_wait3A_340 = tpu.memref_slice %arg6[%dma_wait3A_338, %dma_wait3A_339] : memref<2048x32xf32, #tpu.memory_space<vmem>> -> memref<128x32xf32, #tpu.memory_space<vmem>>
    %dma_wait3A_341 = arith.constant 0 : i32
    %dma_wait3A_342 = tpu.memref_slice %arg5[%dma_wait3A_337, %dma_wait3A_341] : memref<16x128xi32, #tpu.memory_space<vmem>> -> memref<1x128xi32, #tpu.memory_space<vmem>>
    %dma_wait3A_343 = tpu.memref_squeeze %dma_wait3A_342 : memref<1x128xi32, #tpu.memory_space<vmem>> -> memref<128xi32, #tpu.memory_space<vmem>>
    %dma_wait3A_344 = arith.constant 0 : i32
    %dma_wait3A_345 = arith.constant 0 : i32
    %dma_wait3A_346 = tpu.memref_slice %arg2[%dma_wait3A_344, %dma_wait3A_345] : memref<4096x32xf32, #tpu.memory_space<hbm>> -> memref<4096x32xf32, #tpu.memory_space<hbm>>
    tpu.wait_indirect_dma semaphore(%arg7 : memref<!tpu.dma_semaphore, #tpu.memory_space<semaphore_mem>>) src(%dma_wait3A_346 : memref<4096x32xf32, #tpu.memory_space<hbm>>) dst(%dma_wait3A_340 : memref<128x32xf32, #tpu.memory_space<vmem>>)
    %dma_wait3A_347 = arith.constant 14 : i32
    %dma_wait3A_348 = arith.constant 1792 : i32
    %dma_wait3A_349 = arith.constant 0 : i32
    %dma_wait3A_350 = tpu.memref_slice %arg6[%dma_wait3A_348, %dma_wait3A_349] : memref<2048x32xf32, #tpu.memory_space<vmem>> -> memref<128x32xf32, #tpu.memory_space<vmem>>
    %dma_wait3A_351 = arith.constant 0 : i32
    %dma_wait3A_352 = tpu.memref_slice %arg5[%dma_wait3A_347, %dma_wait3A_351] : memref<16x128xi32, #tpu.memory_space<vmem>> -> memref<1x128xi32, #tpu.memory_space<vmem>>
    %dma_wait3A_353 = tpu.memref_squeeze %dma_wait3A_352 : memref<1x128xi32, #tpu.memory_space<vmem>> -> memref<128xi32, #tpu.memory_space<vmem>>
    %dma_wait3A_354 = arith.constant 0 : i32
    %dma_wait3A_355 = arith.constant 0 : i32
    %dma_wait3A_356 = tpu.memref_slice %arg2[%dma_wait3A_354, %dma_wait3A_355] : memref<4096x32xf32, #tpu.memory_space<hbm>> -> memref<4096x32xf32, #tpu.memory_space<hbm>>
    tpu.wait_indirect_dma semaphore(%arg7 : memref<!tpu.dma_semaphore, #tpu.memory_space<semaphore_mem>>) src(%dma_wait3A_356 : memref<4096x32xf32, #tpu.memory_space<hbm>>) dst(%dma_wait3A_350 : memref<128x32xf32, #tpu.memory_space<vmem>>)
    %dma_wait3A_357 = arith.constant 15 : i32
    %dma_wait3A_358 = arith.constant 1920 : i32
    %dma_wait3A_359 = arith.constant 0 : i32
    %dma_wait3A_360 = tpu.memref_slice %arg6[%dma_wait3A_358, %dma_wait3A_359] : memref<2048x32xf32, #tpu.memory_space<vmem>> -> memref<128x32xf32, #tpu.memory_space<vmem>>
    %dma_wait3A_361 = arith.constant 0 : i32
    %dma_wait3A_362 = tpu.memref_slice %arg5[%dma_wait3A_357, %dma_wait3A_361] : memref<16x128xi32, #tpu.memory_space<vmem>> -> memref<1x128xi32, #tpu.memory_space<vmem>>
    %dma_wait3A_363 = tpu.memref_squeeze %dma_wait3A_362 : memref<1x128xi32, #tpu.memory_space<vmem>> -> memref<128xi32, #tpu.memory_space<vmem>>
    %dma_wait3A_364 = arith.constant 0 : i32
    %dma_wait3A_365 = arith.constant 0 : i32
    %dma_wait3A_366 = tpu.memref_slice %arg2[%dma_wait3A_364, %dma_wait3A_365] : memref<4096x32xf32, #tpu.memory_space<hbm>> -> memref<4096x32xf32, #tpu.memory_space<hbm>>
    tpu.wait_indirect_dma semaphore(%arg7 : memref<!tpu.dma_semaphore, #tpu.memory_space<semaphore_mem>>) src(%dma_wait3A_366 : memref<4096x32xf32, #tpu.memory_space<hbm>>) dst(%dma_wait3A_360 : memref<128x32xf32, #tpu.memory_space<vmem>>)
    %run_scoped3A = arith.constant 0 : i32
    "tpu.region"() ({
      %run_scoped3A_370 = tpu.sem_alloc : memref<!tpu.dma_semaphore, #tpu.memory_space<semaphore_mem>>
      %dma_start3A_371 = arith.constant 0 : i32
      %dma_start3A_372 = arith.constant 0 : i32
      %dma_start3A_373 = tpu.memref_slice %arg6[%dma_start3A_371, %dma_start3A_372] : memref<2048x32xf32, #tpu.memory_space<vmem>> -> memref<512x32xf32, #tpu.memory_space<vmem>>
      %dma_start3A_374 = arith.constant 0 : i32
      %dma_start3A_375 = arith.constant 0 : i32
      %dma_start3A_376 = tpu.memref_slice %arg4[%add3A, %dma_start3A_374, %run_scoped3A, %dma_start3A_375] : memref<32x512x4x32xf32, #tpu.memory_space<hbm>> -> memref<1x512x1x32xf32, #tpu.memory_space<hbm>>
      %dma_start3A_377 = tpu.memref_squeeze %dma_start3A_376 : memref<1x512x1x32xf32, #tpu.memory_space<hbm>> -> memref<512x32xf32, #tpu.memory_space<hbm>>
      %dma_start3A_378 = arith.constant 0 : i32
      %dma_start3A_379 = arith.constant 0 : i32
      %dma_start3A_380 = tpu.memref_slice %arg4[%add3A, %dma_start3A_378, %run_scoped3A, %dma_start3A_379] : memref<32x512x4x32xf32, #tpu.memory_space<hbm>> -> memref<1x512x1x32xf32, #tpu.memory_space<hbm>>
      %dma_start3A_381 = tpu.memref_squeeze %dma_start3A_380 : memref<1x512x1x32xf32, #tpu.memory_space<hbm>> -> memref<512x32xf32, #tpu.memory_space<hbm>>
      %dma_start3A_382 = arith.constant 0 : i32
      %dma_start3A_383 = arith.constant 0 : i32
      %dma_start3A_384 = tpu.memref_slice %arg6[%dma_start3A_382, %dma_start3A_383] : memref<2048x32xf32, #tpu.memory_space<vmem>> -> memref<512x32xf32, #tpu.memory_space<vmem>>
      tpu.enqueue_dma source(%dma_start3A_384 : memref<512x32xf32, #tpu.memory_space<vmem>>) target(%dma_start3A_381 : memref<512x32xf32, #tpu.memory_space<hbm>>) target_semaphore(%run_scoped3A_370 : memref<!tpu.dma_semaphore, #tpu.memory_space<semaphore_mem>>)
      %dma_wait3A_385 = arith.constant 0 : i32
      %dma_wait3A_386 = arith.constant 0 : i32
      %dma_wait3A_387 = tpu.memref_slice %arg6[%dma_wait3A_385, %dma_wait3A_386] : memref<2048x32xf32, #tpu.memory_space<vmem>> -> memref<512x32xf32, #tpu.memory_space<vmem>>
      %dma_wait3A_388 = arith.constant 0 : i32
      %dma_wait3A_389 = arith.constant 0 : i32
      %dma_wait3A_390 = tpu.memref_slice %arg4[%add3A, %dma_wait3A_388, %run_scoped3A, %dma_wait3A_389] : memref<32x512x4x32xf32, #tpu.memory_space<hbm>> -> memref<1x512x1x32xf32, #tpu.memory_space<hbm>>
      %dma_wait3A_391 = tpu.memref_squeeze %dma_wait3A_390 : memref<1x512x1x32xf32, #tpu.memory_space<hbm>> -> memref<512x32xf32, #tpu.memory_space<hbm>>
      %dma_wait3A_392 = arith.constant 0 : i32
      %dma_wait3A_393 = arith.constant 0 : i32
      %dma_wait3A_394 = tpu.memref_slice %arg4[%add3A, %dma_wait3A_392, %run_scoped3A, %dma_wait3A_393] : memref<32x512x4x32xf32, #tpu.memory_space<hbm>> -> memref<1x512x1x32xf32, #tpu.memory_space<hbm>>
      %dma_wait3A_395 = tpu.memref_squeeze %dma_wait3A_394 : memref<1x512x1x32xf32, #tpu.memory_space<hbm>> -> memref<512x32xf32, #tpu.memory_space<hbm>>
      %dma_wait3A_396 = arith.constant 0 : i32
      %dma_wait3A_397 = arith.constant 0 : i32
      %dma_wait3A_398 = tpu.memref_slice %arg6[%dma_wait3A_396, %dma_wait3A_397] : memref<2048x32xf32, #tpu.memory_space<vmem>> -> memref<512x32xf32, #tpu.memory_space<vmem>>
      tpu.wait_dma2 semaphore(%run_scoped3A_370 : memref<!tpu.dma_semaphore, #tpu.memory_space<semaphore_mem>>) src(%dma_wait3A_398 : memref<512x32xf32, #tpu.memory_space<vmem>>) dst(%dma_wait3A_395 : memref<512x32xf32, #tpu.memory_space<hbm>>)
      tpu.yield
    }) : () -> ()
    %run_scoped3A_367 = arith.constant 1 : i32
    "tpu.region"() ({
      %run_scoped3A_370 = tpu.sem_alloc : memref<!tpu.dma_semaphore, #tpu.memory_space<semaphore_mem>>
      %dma_start3A_371 = arith.constant 512 : i32
      %dma_start3A_372 = arith.constant 0 : i32
      %dma_start3A_373 = tpu.memref_slice %arg6[%dma_start3A_371, %dma_start3A_372] : memref<2048x32xf32, #tpu.memory_space<vmem>> -> memref<512x32xf32, #tpu.memory_space<vmem>>
      %dma_start3A_374 = arith.constant 0 : i32
      %dma_start3A_375 = arith.constant 0 : i32
      %dma_start3A_376 = tpu.memref_slice %arg4[%add3A, %dma_start3A_374, %run_scoped3A_367, %dma_start3A_375] : memref<32x512x4x32xf32, #tpu.memory_space<hbm>> -> memref<1x512x1x32xf32, #tpu.memory_space<hbm>>
      %dma_start3A_377 = tpu.memref_squeeze %dma_start3A_376 : memref<1x512x1x32xf32, #tpu.memory_space<hbm>> -> memref<512x32xf32, #tpu.memory_space<hbm>>
      %dma_start3A_378 = arith.constant 0 : i32
      %dma_start3A_379 = arith.constant 0 : i32
      %dma_start3A_380 = tpu.memref_slice %arg4[%add3A, %dma_start3A_378, %run_scoped3A_367, %dma_start3A_379] : memref<32x512x4x32xf32, #tpu.memory_space<hbm>> -> memref<1x512x1x32xf32, #tpu.memory_space<hbm>>
      %dma_start3A_381 = tpu.memref_squeeze %dma_start3A_380 : memref<1x512x1x32xf32, #tpu.memory_space<hbm>> -> memref<512x32xf32, #tpu.memory_space<hbm>>
      %dma_start3A_382 = arith.constant 512 : i32
      %dma_start3A_383 = arith.constant 0 : i32
      %dma_start3A_384 = tpu.memref_slice %arg6[%dma_start3A_382, %dma_start3A_383] : memref<2048x32xf32, #tpu.memory_space<vmem>> -> memref<512x32xf32, #tpu.memory_space<vmem>>
      tpu.enqueue_dma source(%dma_start3A_384 : memref<512x32xf32, #tpu.memory_space<vmem>>) target(%dma_start3A_381 : memref<512x32xf32, #tpu.memory_space<hbm>>) target_semaphore(%run_scoped3A_370 : memref<!tpu.dma_semaphore, #tpu.memory_space<semaphore_mem>>)
      %dma_wait3A_385 = arith.constant 512 : i32
      %dma_wait3A_386 = arith.constant 0 : i32
      %dma_wait3A_387 = tpu.memref_slice %arg6[%dma_wait3A_385, %dma_wait3A_386] : memref<2048x32xf32, #tpu.memory_space<vmem>> -> memref<512x32xf32, #tpu.memory_space<vmem>>
      %dma_wait3A_388 = arith.constant 0 : i32
      %dma_wait3A_389 = arith.constant 0 : i32
      %dma_wait3A_390 = tpu.memref_slice %arg4[%add3A, %dma_wait3A_388, %run_scoped3A_367, %dma_wait3A_389] : memref<32x512x4x32xf32, #tpu.memory_space<hbm>> -> memref<1x512x1x32xf32, #tpu.memory_space<hbm>>
      %dma_wait3A_391 = tpu.memref_squeeze %dma_wait3A_390 : memref<1x512x1x32xf32, #tpu.memory_space<hbm>> -> memref<512x32xf32, #tpu.memory_space<hbm>>
      %dma_wait3A_392 = arith.constant 0 : i32
      %dma_wait3A_393 = arith.constant 0 : i32
      %dma_wait3A_394 = tpu.memref_slice %arg4[%add3A, %dma_wait3A_392, %run_scoped3A_367, %dma_wait3A_393] : memref<32x512x4x32xf32, #tpu.memory_space<hbm>> -> memref<1x512x1x32xf32, #tpu.memory_space<hbm>>
      %dma_wait3A_395 = tpu.memref_squeeze %dma_wait3A_394 : memref<1x512x1x32xf32, #tpu.memory_space<hbm>> -> memref<512x32xf32, #tpu.memory_space<hbm>>
      %dma_wait3A_396 = arith.constant 512 : i32
      %dma_wait3A_397 = arith.constant 0 : i32
      %dma_wait3A_398 = tpu.memref_slice %arg6[%dma_wait3A_396, %dma_wait3A_397] : memref<2048x32xf32, #tpu.memory_space<vmem>> -> memref<512x32xf32, #tpu.memory_space<vmem>>
      tpu.wait_dma2 semaphore(%run_scoped3A_370 : memref<!tpu.dma_semaphore, #tpu.memory_space<semaphore_mem>>) src(%dma_wait3A_398 : memref<512x32xf32, #tpu.memory_space<vmem>>) dst(%dma_wait3A_395 : memref<512x32xf32, #tpu.memory_space<hbm>>)
      tpu.yield
    }) : () -> ()
    %run_scoped3A_368 = arith.constant 2 : i32
    "tpu.region"() ({
      %run_scoped3A_370 = tpu.sem_alloc : memref<!tpu.dma_semaphore, #tpu.memory_space<semaphore_mem>>
      %dma_start3A_371 = arith.constant 1024 : i32
      %dma_start3A_372 = arith.constant 0 : i32
      %dma_start3A_373 = tpu.memref_slice %arg6[%dma_start3A_371, %dma_start3A_372] : memref<2048x32xf32, #tpu.memory_space<vmem>> -> memref<512x32xf32, #tpu.memory_space<vmem>>
      %dma_start3A_374 = arith.constant 0 : i32
      %dma_start3A_375 = arith.constant 0 : i32
      %dma_start3A_376 = tpu.memref_slice %arg4[%add3A, %dma_start3A_374, %run_scoped3A_368, %dma_start3A_375] : memref<32x512x4x32xf32, #tpu.memory_space<hbm>> -> memref<1x512x1x32xf32, #tpu.memory_space<hbm>>
      %dma_start3A_377 = tpu.memref_squeeze %dma_start3A_376 : memref<1x512x1x32xf32, #tpu.memory_space<hbm>> -> memref<512x32xf32, #tpu.memory_space<hbm>>
      %dma_start3A_378 = arith.constant 0 : i32
      %dma_start3A_379 = arith.constant 0 : i32
      %dma_start3A_380 = tpu.memref_slice %arg4[%add3A, %dma_start3A_378, %run_scoped3A_368, %dma_start3A_379] : memref<32x512x4x32xf32, #tpu.memory_space<hbm>> -> memref<1x512x1x32xf32, #tpu.memory_space<hbm>>
      %dma_start3A_381 = tpu.memref_squeeze %dma_start3A_380 : memref<1x512x1x32xf32, #tpu.memory_space<hbm>> -> memref<512x32xf32, #tpu.memory_space<hbm>>
      %dma_start3A_382 = arith.constant 1024 : i32
      %dma_start3A_383 = arith.constant 0 : i32
      %dma_start3A_384 = tpu.memref_slice %arg6[%dma_start3A_382, %dma_start3A_383] : memref<2048x32xf32, #tpu.memory_space<vmem>> -> memref<512x32xf32, #tpu.memory_space<vmem>>
      tpu.enqueue_dma source(%dma_start3A_384 : memref<512x32xf32, #tpu.memory_space<vmem>>) target(%dma_start3A_381 : memref<512x32xf32, #tpu.memory_space<hbm>>) target_semaphore(%run_scoped3A_370 : memref<!tpu.dma_semaphore, #tpu.memory_space<semaphore_mem>>)
      %dma_wait3A_385 = arith.constant 1024 : i32
      %dma_wait3A_386 = arith.constant 0 : i32
      %dma_wait3A_387 = tpu.memref_slice %arg6[%dma_wait3A_385, %dma_wait3A_386] : memref<2048x32xf32, #tpu.memory_space<vmem>> -> memref<512x32xf32, #tpu.memory_space<vmem>>
      %dma_wait3A_388 = arith.constant 0 : i32
      %dma_wait3A_389 = arith.constant 0 : i32
      %dma_wait3A_390 = tpu.memref_slice %arg4[%add3A, %dma_wait3A_388, %run_scoped3A_368, %dma_wait3A_389] : memref<32x512x4x32xf32, #tpu.memory_space<hbm>> -> memref<1x512x1x32xf32, #tpu.memory_space<hbm>>
      %dma_wait3A_391 = tpu.memref_squeeze %dma_wait3A_390 : memref<1x512x1x32xf32, #tpu.memory_space<hbm>> -> memref<512x32xf32, #tpu.memory_space<hbm>>
      %dma_wait3A_392 = arith.constant 0 : i32
      %dma_wait3A_393 = arith.constant 0 : i32
      %dma_wait3A_394 = tpu.memref_slice %arg4[%add3A, %dma_wait3A_392, %run_scoped3A_368, %dma_wait3A_393] : memref<32x512x4x32xf32, #tpu.memory_space<hbm>> -> memref<1x512x1x32xf32, #tpu.memory_space<hbm>>
      %dma_wait3A_395 = tpu.memref_squeeze %dma_wait3A_394 : memref<1x512x1x32xf32, #tpu.memory_space<hbm>> -> memref<512x32xf32, #tpu.memory_space<hbm>>
      %dma_wait3A_396 = arith.constant 1024 : i32
      %dma_wait3A_397 = arith.constant 0 : i32
      %dma_wait3A_398 = tpu.memref_slice %arg6[%dma_wait3A_396, %dma_wait3A_397] : memref<2048x32xf32, #tpu.memory_space<vmem>> -> memref<512x32xf32, #tpu.memory_space<vmem>>
      tpu.wait_dma2 semaphore(%run_scoped3A_370 : memref<!tpu.dma_semaphore, #tpu.memory_space<semaphore_mem>>) src(%dma_wait3A_398 : memref<512x32xf32, #tpu.memory_space<vmem>>) dst(%dma_wait3A_395 : memref<512x32xf32, #tpu.memory_space<hbm>>)
      tpu.yield
    }) : () -> ()
    %run_scoped3A_369 = arith.constant 3 : i32
    "tpu.region"() ({
      %run_scoped3A_370 = tpu.sem_alloc : memref<!tpu.dma_semaphore, #tpu.memory_space<semaphore_mem>>
      %dma_start3A_371 = arith.constant 1536 : i32
      %dma_start3A_372 = arith.constant 0 : i32
      %dma_start3A_373 = tpu.memref_slice %arg6[%dma_start3A_371, %dma_start3A_372] : memref<2048x32xf32, #tpu.memory_space<vmem>> -> memref<512x32xf32, #tpu.memory_space<vmem>>
      %dma_start3A_374 = arith.constant 0 : i32
      %dma_start3A_375 = arith.constant 0 : i32
      %dma_start3A_376 = tpu.memref_slice %arg4[%add3A, %dma_start3A_374, %run_scoped3A_369, %dma_start3A_375] : memref<32x512x4x32xf32, #tpu.memory_space<hbm>> -> memref<1x512x1x32xf32, #tpu.memory_space<hbm>>
      %dma_start3A_377 = tpu.memref_squeeze %dma_start3A_376 : memref<1x512x1x32xf32, #tpu.memory_space<hbm>> -> memref<512x32xf32, #tpu.memory_space<hbm>>
      %dma_start3A_378 = arith.constant 0 : i32
      %dma_start3A_379 = arith.constant 0 : i32
      %dma_start3A_380 = tpu.memref_slice %arg4[%add3A, %dma_start3A_378, %run_scoped3A_369, %dma_start3A_379] : memref<32x512x4x32xf32, #tpu.memory_space<hbm>> -> memref<1x512x1x32xf32, #tpu.memory_space<hbm>>
      %dma_start3A_381 = tpu.memref_squeeze %dma_start3A_380 : memref<1x512x1x32xf32, #tpu.memory_space<hbm>> -> memref<512x32xf32, #tpu.memory_space<hbm>>
      %dma_start3A_382 = arith.constant 1536 : i32
      %dma_start3A_383 = arith.constant 0 : i32
      %dma_start3A_384 = tpu.memref_slice %arg6[%dma_start3A_382, %dma_start3A_383] : memref<2048x32xf32, #tpu.memory_space<vmem>> -> memref<512x32xf32, #tpu.memory_space<vmem>>
      tpu.enqueue_dma source(%dma_start3A_384 : memref<512x32xf32, #tpu.memory_space<vmem>>) target(%dma_start3A_381 : memref<512x32xf32, #tpu.memory_space<hbm>>) target_semaphore(%run_scoped3A_370 : memref<!tpu.dma_semaphore, #tpu.memory_space<semaphore_mem>>)
      %dma_wait3A_385 = arith.constant 1536 : i32
      %dma_wait3A_386 = arith.constant 0 : i32
      %dma_wait3A_387 = tpu.memref_slice %arg6[%dma_wait3A_385, %dma_wait3A_386] : memref<2048x32xf32, #tpu.memory_space<vmem>> -> memref<512x32xf32, #tpu.memory_space<vmem>>
      %dma_wait3A_388 = arith.constant 0 : i32
      %dma_wait3A_389 = arith.constant 0 : i32
      %dma_wait3A_390 = tpu.memref_slice %arg4[%add3A, %dma_wait3A_388, %run_scoped3A_369, %dma_wait3A_389] : memref<32x512x4x32xf32, #tpu.memory_space<hbm>> -> memref<1x512x1x32xf32, #tpu.memory_space<hbm>>
      %dma_wait3A_391 = tpu.memref_squeeze %dma_wait3A_390 : memref<1x512x1x32xf32, #tpu.memory_space<hbm>> -> memref<512x32xf32, #tpu.memory_space<hbm>>
      %dma_wait3A_392 = arith.constant 0 : i32
      %dma_wait3A_393 = arith.constant 0 : i32
      %dma_wait3A_394 = tpu.memref_slice %arg4[%add3A, %dma_wait3A_392, %run_scoped3A_369, %dma_wait3A_393] : memref<32x512x4x32xf32, #tpu.memory_space<hbm>> -> memref<1x512x1x32xf32, #tpu.memory_space<hbm>>
      %dma_wait3A_395 = tpu.memref_squeeze %dma_wait3A_394 : memref<1x512x1x32xf32, #tpu.memory_space<hbm>> -> memref<512x32xf32, #tpu.memory_space<hbm>>
      %dma_wait3A_396 = arith.constant 1536 : i32
      %dma_wait3A_397 = arith.constant 0 : i32
      %dma_wait3A_398 = tpu.memref_slice %arg6[%dma_wait3A_396, %dma_wait3A_397] : memref<2048x32xf32, #tpu.memory_space<vmem>> -> memref<512x32xf32, #tpu.memory_space<vmem>>
      tpu.wait_dma2 semaphore(%run_scoped3A_370 : memref<!tpu.dma_semaphore, #tpu.memory_space<semaphore_mem>>) src(%dma_wait3A_398 : memref<512x32xf32, #tpu.memory_space<vmem>>) dst(%dma_wait3A_395 : memref<512x32xf32, #tpu.memory_space<hbm>>)
      tpu.yield
    }) : () -> ()
    return
  }
}

module attributes {stable_mosaic.version = 14 : i64} {
  func.func @_tc_body(%arg0: i32, %arg1: memref<32x256xf32, #tpu.memory_space<vmem>>, %arg2: memref<1x4096xf32, #tpu.memory_space<vmem>>, %arg3: memref<1024x128xf32, #tpu.memory_space<vmem>>, %arg4: memref<32x32xf32, #tpu.memory_space<vmem>>, %arg5: memref<32x32xf32, #tpu.memory_space<vmem>>, %arg6: memref<32x32xf32, #tpu.memory_space<vmem>>, %arg7: memref<16x1xf32, #tpu.memory_space<vmem>>, %arg8: memref<16x1xf32, #tpu.memory_space<vmem>>, %arg9: memref<16x1xf32, #tpu.memory_space<vmem>>, %arg10: memref<16x16xf32, #tpu.memory_space<vmem>>, %arg11: memref<16x1xf32, #tpu.memory_space<vmem>>, %arg12: memref<16x1xf32, #tpu.memory_space<vmem>>, %arg13: memref<32x512xf32, #tpu.memory_space<vmem>>, %arg14: memref<256x4096xf32, #tpu.memory_space<vmem>>, %arg15: memref<4096x256xf32, #tpu.memory_space<vmem>>, %arg16: memref<32x32xf32, #tpu.memory_space<vmem>>, %arg17: memref<32x32xf32, #tpu.memory_space<vmem>>, %arg18: memref<32x256xf32, #tpu.memory_space<vmem>>) attributes {dimension_semantics = [#tpu.dimension_semantics<arbitrary>], iteration_bounds = array<i64: 16>, scalar_prefetch = 0 : i64, scratch_operands = 0 : i64, tpu.core_type = #tpu.core_type<tc>, window_params = [{transform_indices = @transform_0, window_bounds = array<i64: 32, 256>}, {transform_indices = @transform_1, window_bounds = array<i64: 1, 4096>}, {transform_indices = @transform_2, window_bounds = array<i64: 1024, 128>}, {pipeline_mode = #tpu.pipeline_mode<synchronous>, transform_indices = @transform_3, window_bounds = array<i64: 32, 32>}, {pipeline_mode = #tpu.pipeline_mode<synchronous>, transform_indices = @transform_4, window_bounds = array<i64: 32, 32>}, {pipeline_mode = #tpu.pipeline_mode<synchronous>, transform_indices = @transform_5, window_bounds = array<i64: 32, 32>}, {pipeline_mode = #tpu.pipeline_mode<synchronous>, transform_indices = @transform_6, window_bounds = array<i64: 16, 1>}, {pipeline_mode = #tpu.pipeline_mode<synchronous>, transform_indices = @transform_7, window_bounds = array<i64: 16, 1>}, {pipeline_mode = #tpu.pipeline_mode<synchronous>, transform_indices = @transform_8, window_bounds = array<i64: 16, 1>}, {pipeline_mode = #tpu.pipeline_mode<synchronous>, transform_indices = @transform_9, window_bounds = array<i64: 16, 16>}, {pipeline_mode = #tpu.pipeline_mode<synchronous>, transform_indices = @transform_10, window_bounds = array<i64: 16, 1>}, {pipeline_mode = #tpu.pipeline_mode<synchronous>, transform_indices = @transform_11, window_bounds = array<i64: 16, 1>}, {pipeline_mode = #tpu.pipeline_mode<synchronous>, transform_indices = @transform_12, window_bounds = array<i64: 32, 512>}, {pipeline_mode = #tpu.pipeline_mode<synchronous>, transform_indices = @transform_13, window_bounds = array<i64: 256, 4096>}, {pipeline_mode = #tpu.pipeline_mode<synchronous>, transform_indices = @transform_14, window_bounds = array<i64: 4096, 256>}, {pipeline_mode = #tpu.pipeline_mode<synchronous>, transform_indices = @transform_15, window_bounds = array<i64: 32, 32>}, {pipeline_mode = #tpu.pipeline_mode<synchronous>, transform_indices = @transform_16, window_bounds = array<i64: 32, 32>}, {transform_indices = @transform_17, window_bounds = array<i64: 32, 256>}]} {
    %get3A = arith.constant 0 : index
    %get3A_0 = arith.constant 0 : index
    %get3A_1 = vector.load %arg1[%get3A, %get3A_0] : memref<32x256xf32, #tpu.memory_space<vmem>>, vector<32x256xf32>
    %get3A_2 = arith.constant 0 : index
    %get3A_3 = arith.constant 0 : index
    %get3A_4 = vector.load %arg4[%get3A_2, %get3A_3] : memref<32x32xf32, #tpu.memory_space<vmem>>, vector<32x32xf32>
    %dot_general3A = arith.constant dense<0.000000e+00> : vector<32x256xf32>
    %dot_general3A_5 = tpu.matmul %get3A_4, %get3A_1, %dot_general3A {dimension_numbers = #tpu.dot_dimension_numbers<[0], [0], [1], [1], [0, 1, 1, 1], [], []>, transpose_lhs_hint = false} : vector<32x32xf32>, vector<32x256xf32>, vector<32x256xf32> -> vector<32x256xf32>
    %get3A_6 = arith.constant 0 : index
    %get3A_7 = arith.constant 0 : index
    %get3A_8 = vector.load %arg6[%get3A_6, %get3A_7] : memref<32x32xf32, #tpu.memory_space<vmem>>, vector<32x32xf32>
    %dot_general3A_9 = arith.constant dense<0.000000e+00> : vector<32x256xf32>
    %dot_general3A_10 = tpu.matmul %get3A_8, %get3A_1, %dot_general3A_9 {dimension_numbers = #tpu.dot_dimension_numbers<[0], [0], [1], [1], [0, 1, 1, 1], [], []>, transpose_lhs_hint = false} : vector<32x32xf32>, vector<32x256xf32>, vector<32x256xf32> -> vector<32x256xf32>
    %get3A_11 = arith.constant 0 : index
    %get3A_12 = arith.constant 0 : index
    %get3A_13 = vector.load %arg3[%get3A_11, %get3A_12] : memref<1024x128xf32, #tpu.memory_space<vmem>>, vector<1024x128xf32>
    %get3A_14 = arith.constant 0 : index
    %get3A_15 = arith.constant 0 : index
    %get3A_16 = vector.load %arg5[%get3A_14, %get3A_15] : memref<32x32xf32, #tpu.memory_space<vmem>>, vector<32x32xf32>
    %slice3A = vector.extract_strided_slice %get3A_13 {offsets = [0, 0], sizes = [1024, 32], strides = [1, 1]} : vector<1024x128xf32> to vector<1024x32xf32>
    %dot_general3A_17 = arith.constant dense<0.000000e+00> : vector<32x1024xf32>
    %dot_general3A_18 = tpu.matmul %get3A_16, %slice3A, %dot_general3A_17 {dimension_numbers = #tpu.dot_dimension_numbers<[0], [1], [1], [0], [0, 1, 1, 0], [], []>, transpose_lhs_hint = false} : vector<32x32xf32>, vector<1024x32xf32>, vector<32x1024xf32> -> vector<32x1024xf32>
    %slice3A_19 = vector.extract_strided_slice %get3A_13 {offsets = [0, 32], sizes = [1024, 32], strides = [1, 1]} : vector<1024x128xf32> to vector<1024x32xf32>
    %dot_general3A_20 = arith.constant dense<0.000000e+00> : vector<32x1024xf32>
    %dot_general3A_21 = tpu.matmul %get3A_16, %slice3A_19, %dot_general3A_20 {dimension_numbers = #tpu.dot_dimension_numbers<[0], [1], [1], [0], [0, 1, 1, 0], [], []>, transpose_lhs_hint = false} : vector<32x32xf32>, vector<1024x32xf32>, vector<32x1024xf32> -> vector<32x1024xf32>
    %slice3A_22 = vector.extract_strided_slice %get3A_13 {offsets = [0, 64], sizes = [1024, 32], strides = [1, 1]} : vector<1024x128xf32> to vector<1024x32xf32>
    %dot_general3A_23 = arith.constant dense<0.000000e+00> : vector<32x1024xf32>
    %dot_general3A_24 = tpu.matmul %get3A_16, %slice3A_22, %dot_general3A_23 {dimension_numbers = #tpu.dot_dimension_numbers<[0], [1], [1], [0], [0, 1, 1, 0], [], []>, transpose_lhs_hint = false} : vector<32x32xf32>, vector<1024x32xf32>, vector<32x1024xf32> -> vector<32x1024xf32>
    %slice3A_25 = vector.extract_strided_slice %get3A_13 {offsets = [0, 96], sizes = [1024, 32], strides = [1, 1]} : vector<1024x128xf32> to vector<1024x32xf32>
    %dot_general3A_26 = arith.constant dense<0.000000e+00> : vector<32x1024xf32>
    %dot_general3A_27 = tpu.matmul %get3A_16, %slice3A_25, %dot_general3A_26 {dimension_numbers = #tpu.dot_dimension_numbers<[0], [1], [1], [0], [0, 1, 1, 0], [], []>, transpose_lhs_hint = false} : vector<32x32xf32>, vector<1024x32xf32>, vector<32x1024xf32> -> vector<32x1024xf32>
    %concatenate3A = tpu.concatenate %dot_general3A_18, %dot_general3A_21, %dot_general3A_24, %dot_general3A_27 in 1 : vector<32x1024xf32>, vector<32x1024xf32>, vector<32x1024xf32>, vector<32x1024xf32> -> vector<32x4096xf32>
    %get3A_28 = arith.constant 0 : index
    %get3A_29 = arith.constant 0 : index
    %get3A_30 = vector.load %arg14[%get3A_28, %get3A_29] : memref<256x4096xf32, #tpu.memory_space<vmem>>, vector<256x4096xf32>
    %dot_general3A_31 = arith.constant dense<0.000000e+00> : vector<32x4096xf32>
    %dot_general3A_32 = tpu.matmul %dot_general3A_5, %get3A_30, %dot_general3A_31 {dimension_numbers = #tpu.dot_dimension_numbers<[1], [0], [0], [1], [0, 0, 1, 1], [], []>, transpose_lhs_hint = false} : vector<32x256xf32>, vector<256x4096xf32>, vector<32x4096xf32> -> vector<32x4096xf32>
    %add3A = arith.addf %concatenate3A, %dot_general3A_32 : vector<32x4096xf32>
    %get3A_33 = arith.constant 0 : index
    %get3A_34 = arith.constant 0 : index
    %get3A_35 = vector.load %arg7[%get3A_33, %get3A_34] : memref<16x1xf32, #tpu.memory_space<vmem>>, vector<16x1xf32>
    %get3A_36 = arith.constant 0 : index
    %get3A_37 = arith.constant 0 : index
    %get3A_38 = vector.load %arg2[%get3A_36, %get3A_37] : memref<1x4096xf32, #tpu.memory_space<vmem>>, vector<1x4096xf32>
    %mul3A = vector.broadcast %get3A_35 : vector<16x1xf32> to vector<16x4096xf32>
    %mul3A_39 = vector.broadcast %get3A_38 : vector<1x4096xf32> to vector<16x4096xf32>
    %mul3A_40 = arith.mulf %mul3A, %mul3A_39 : vector<16x4096xf32>
    %get3A_41 = arith.constant 0 : index
    %get3A_42 = arith.constant 0 : index
    %get3A_43 = vector.load %arg8[%get3A_41, %get3A_42] : memref<16x1xf32, #tpu.memory_space<vmem>>, vector<16x1xf32>
    %add3A_44 = vector.broadcast %get3A_43 : vector<16x1xf32> to vector<16x4096xf32>
    %add3A_45 = arith.addf %mul3A_40, %add3A_44 : vector<16x4096xf32>
    %logistic3A = arith.negf %add3A_45 : vector<16x4096xf32>
    %logistic3A_46 = math.exp %logistic3A : vector<16x4096xf32>
    %logistic3A_47 = arith.constant 1.000000e+00 : f32
    %logistic3A_48 = vector.broadcast %logistic3A_47 : f32 to vector<16x4096xf32>
    %logistic3A_49 = arith.addf %logistic3A_48, %logistic3A_46 : vector<16x4096xf32>
    %logistic3A_50 = arith.divf %logistic3A_48, %logistic3A_49 : vector<16x4096xf32>
    %mul3A_51 = arith.mulf %add3A_45, %logistic3A_50 : vector<16x4096xf32>
    %get3A_52 = arith.constant 0 : index
    %get3A_53 = arith.constant 0 : index
    %get3A_54 = vector.load %arg9[%get3A_52, %get3A_53] : memref<16x1xf32, #tpu.memory_space<vmem>>, vector<16x1xf32>
    %reduce_sum3A = arith.constant dense<0.000000e+00> : vector<4096xf32>
    %reduce_sum3A_55 = vector.multi_reduction <add>, %mul3A_51, %reduce_sum3A [0] : vector<16x4096xf32> to vector<4096xf32>
    %broadcast_in_dim3A = vector.shape_cast %reduce_sum3A_55 : vector<4096xf32> to vector<1x4096xf32>
    %div3A = arith.constant 1.600000e+01 : f32
    %div3A_56 = vector.broadcast %div3A : f32 to vector<1x4096xf32>
    %div3A_57 = arith.divf %broadcast_in_dim3A, %div3A_56 : vector<1x4096xf32>
    %jit3A = arith.constant 0 : i32
    %reduce_sum3A_58 = arith.constant dense<0.000000e+00> : vector<4096xf32>
    %reduce_sum3A_59 = vector.multi_reduction <add>, %mul3A_51, %reduce_sum3A_58 [0] : vector<16x4096xf32> to vector<4096xf32>
    %broadcast_in_dim3A_60 = vector.shape_cast %reduce_sum3A_59 : vector<4096xf32> to vector<1x4096xf32>
    %div3A_61 = arith.constant 1.600000e+01 : f32
    %div3A_62 = vector.broadcast %div3A_61 : f32 to vector<1x4096xf32>
    %div3A_63 = arith.divf %broadcast_in_dim3A_60, %div3A_62 : vector<1x4096xf32>
    %sub3A = vector.broadcast %div3A_63 : vector<1x4096xf32> to vector<16x4096xf32>
    %sub3A_64 = arith.subf %mul3A_51, %sub3A : vector<16x4096xf32>
    %square3A = arith.mulf %sub3A_64, %sub3A_64 : vector<16x4096xf32>
    %convert_element_type3A = arith.sitofp %jit3A : i32 to f32
    %sub3A_65 = arith.constant 1.600000e+01 : f32
    %sub3A_66 = arith.subf %sub3A_65, %convert_element_type3A : f32
    %reduce_sum3A_67 = arith.constant dense<0.000000e+00> : vector<4096xf32>
    %reduce_sum3A_68 = vector.multi_reduction <add>, %square3A, %reduce_sum3A_67 [0] : vector<16x4096xf32> to vector<4096xf32>
    %broadcast_in_dim3A_69 = vector.shape_cast %reduce_sum3A_68 : vector<4096xf32> to vector<1x4096xf32>
    %div3A_70 = vector.broadcast %sub3A_66 : f32 to vector<1x4096xf32>
    %div3A_71 = arith.divf %broadcast_in_dim3A_69, %div3A_70 : vector<1x4096xf32>
    %gt3A = arith.constant 0.000000e+00 : f32
    %gt3A_72 = arith.cmpf ogt, %sub3A_66, %gt3A : f32
    %jit3A_73 = arith.constant 0x7FC00000 : f32
    %broadcast_in_dim3A_74 = vector.broadcast %jit3A_73 : f32 to vector<1x4096xf32>
    %select_n3A = arith.select %gt3A_72, %div3A_71, %broadcast_in_dim3A_74 : vector<1x4096xf32>
    %sub3A_75 = vector.broadcast %div3A_57 : vector<1x4096xf32> to vector<16x4096xf32>
    %sub3A_76 = arith.subf %mul3A_51, %sub3A_75 : vector<16x4096xf32>
    %add3A_77 = arith.constant 9.99999974E-6 : f32
    %add3A_78 = vector.broadcast %add3A_77 : f32 to vector<1x4096xf32>
    %add3A_79 = arith.addf %select_n3A, %add3A_78 : vector<1x4096xf32>
    %sqrt3A = math.sqrt %add3A_79 : vector<1x4096xf32>
    %div3A_80 = vector.broadcast %sqrt3A : vector<1x4096xf32> to vector<16x4096xf32>
    %div3A_81 = arith.divf %sub3A_76, %div3A_80 : vector<16x4096xf32>
    %mul3A_82 = vector.broadcast %get3A_54 : vector<16x1xf32> to vector<16x4096xf32>
    %mul3A_83 = arith.mulf %div3A_81, %mul3A_82 : vector<16x4096xf32>
    %get3A_84 = arith.constant 0 : index
    %get3A_85 = arith.constant 0 : index
    %get3A_86 = vector.load %arg10[%get3A_84, %get3A_85] : memref<16x16xf32, #tpu.memory_space<vmem>>, vector<16x16xf32>
    %dot_general3A_87 = arith.constant dense<0.000000e+00> : vector<16x4096xf32>
    %dot_general3A_88 = tpu.matmul %get3A_86, %mul3A_83, %dot_general3A_87 {dimension_numbers = #tpu.dot_dimension_numbers<[0], [0], [1], [1], [0, 1, 1, 1], [], []>, transpose_lhs_hint = false} : vector<16x16xf32>, vector<16x4096xf32>, vector<16x4096xf32> -> vector<16x4096xf32>
    %get3A_89 = arith.constant 0 : index
    %get3A_90 = arith.constant 0 : index
    %get3A_91 = vector.load %arg11[%get3A_89, %get3A_90] : memref<16x1xf32, #tpu.memory_space<vmem>>, vector<16x1xf32>
    %add3A_92 = vector.broadcast %get3A_91 : vector<16x1xf32> to vector<16x4096xf32>
    %add3A_93 = arith.addf %dot_general3A_88, %add3A_92 : vector<16x4096xf32>
    %logistic3A_94 = arith.negf %add3A_93 : vector<16x4096xf32>
    %logistic3A_95 = math.exp %logistic3A_94 : vector<16x4096xf32>
    %logistic3A_96 = arith.constant 1.000000e+00 : f32
    %logistic3A_97 = vector.broadcast %logistic3A_96 : f32 to vector<16x4096xf32>
    %logistic3A_98 = arith.addf %logistic3A_97, %logistic3A_95 : vector<16x4096xf32>
    %logistic3A_99 = arith.divf %logistic3A_97, %logistic3A_98 : vector<16x4096xf32>
    %mul3A_100 = arith.mulf %add3A_93, %logistic3A_99 : vector<16x4096xf32>
    %get3A_101 = arith.constant 0 : index
    %get3A_102 = arith.constant 0 : index
    %get3A_103 = vector.load %arg12[%get3A_101, %get3A_102] : memref<16x1xf32, #tpu.memory_space<vmem>>, vector<16x1xf32>
    %reduce_sum3A_104 = arith.constant dense<0.000000e+00> : vector<4096xf32>
    %reduce_sum3A_105 = vector.multi_reduction <add>, %mul3A_100, %reduce_sum3A_104 [0] : vector<16x4096xf32> to vector<4096xf32>
    %broadcast_in_dim3A_106 = vector.shape_cast %reduce_sum3A_105 : vector<4096xf32> to vector<1x4096xf32>
    %div3A_107 = arith.constant 1.600000e+01 : f32
    %div3A_108 = vector.broadcast %div3A_107 : f32 to vector<1x4096xf32>
    %div3A_109 = arith.divf %broadcast_in_dim3A_106, %div3A_108 : vector<1x4096xf32>
    %jit3A_110 = arith.constant 0 : i32
    %reduce_sum3A_111 = arith.constant dense<0.000000e+00> : vector<4096xf32>
    %reduce_sum3A_112 = vector.multi_reduction <add>, %mul3A_100, %reduce_sum3A_111 [0] : vector<16x4096xf32> to vector<4096xf32>
    %broadcast_in_dim3A_113 = vector.shape_cast %reduce_sum3A_112 : vector<4096xf32> to vector<1x4096xf32>
    %div3A_114 = arith.constant 1.600000e+01 : f32
    %div3A_115 = vector.broadcast %div3A_114 : f32 to vector<1x4096xf32>
    %div3A_116 = arith.divf %broadcast_in_dim3A_113, %div3A_115 : vector<1x4096xf32>
    %sub3A_117 = vector.broadcast %div3A_116 : vector<1x4096xf32> to vector<16x4096xf32>
    %sub3A_118 = arith.subf %mul3A_100, %sub3A_117 : vector<16x4096xf32>
    %square3A_119 = arith.mulf %sub3A_118, %sub3A_118 : vector<16x4096xf32>
    %convert_element_type3A_120 = arith.sitofp %jit3A_110 : i32 to f32
    %sub3A_121 = arith.constant 1.600000e+01 : f32
    %sub3A_122 = arith.subf %sub3A_121, %convert_element_type3A_120 : f32
    %reduce_sum3A_123 = arith.constant dense<0.000000e+00> : vector<4096xf32>
    %reduce_sum3A_124 = vector.multi_reduction <add>, %square3A_119, %reduce_sum3A_123 [0] : vector<16x4096xf32> to vector<4096xf32>
    %broadcast_in_dim3A_125 = vector.shape_cast %reduce_sum3A_124 : vector<4096xf32> to vector<1x4096xf32>
    %div3A_126 = vector.broadcast %sub3A_122 : f32 to vector<1x4096xf32>
    %div3A_127 = arith.divf %broadcast_in_dim3A_125, %div3A_126 : vector<1x4096xf32>
    %gt3A_128 = arith.constant 0.000000e+00 : f32
    %gt3A_129 = arith.cmpf ogt, %sub3A_122, %gt3A_128 : f32
    %jit3A_130 = arith.constant 0x7FC00000 : f32
    %broadcast_in_dim3A_131 = vector.broadcast %jit3A_130 : f32 to vector<1x4096xf32>
    %select_n3A_132 = arith.select %gt3A_129, %div3A_127, %broadcast_in_dim3A_131 : vector<1x4096xf32>
    %sub3A_133 = vector.broadcast %div3A_109 : vector<1x4096xf32> to vector<16x4096xf32>
    %sub3A_134 = arith.subf %mul3A_100, %sub3A_133 : vector<16x4096xf32>
    %add3A_135 = arith.constant 9.99999974E-6 : f32
    %add3A_136 = vector.broadcast %add3A_135 : f32 to vector<1x4096xf32>
    %add3A_137 = arith.addf %select_n3A_132, %add3A_136 : vector<1x4096xf32>
    %sqrt3A_138 = math.sqrt %add3A_137 : vector<1x4096xf32>
    %div3A_139 = vector.broadcast %sqrt3A_138 : vector<1x4096xf32> to vector<16x4096xf32>
    %div3A_140 = arith.divf %sub3A_134, %div3A_139 : vector<16x4096xf32>
    %mul3A_141 = vector.broadcast %get3A_103 : vector<16x1xf32> to vector<16x4096xf32>
    %mul3A_142 = arith.mulf %div3A_140, %mul3A_141 : vector<16x4096xf32>
    %get3A_143 = arith.constant 0 : index
    %get3A_144 = arith.constant 0 : index
    %get3A_145 = vector.load %arg13[%get3A_143, %get3A_144] : memref<32x512xf32, #tpu.memory_space<vmem>>, vector<32x512xf32>
    %dot_general3A_146 = arith.constant dense<0.000000e+00> : vector<512x4096xf32>
    %dot_general3A_147 = tpu.matmul %get3A_145, %add3A, %dot_general3A_146 {dimension_numbers = #tpu.dot_dimension_numbers<[0], [0], [1], [1], [0, 1, 1, 1], [], []>, transpose_lhs_hint = false} : vector<32x512xf32>, vector<32x4096xf32>, vector<512x4096xf32> -> vector<512x4096xf32>
    %slice3A_148 = vector.extract_strided_slice %mul3A_142 {offsets = [0, 0], sizes = [1, 4096], strides = [1, 1]} : vector<16x4096xf32> to vector<1x4096xf32>
    %slice3A_149 = vector.extract_strided_slice %dot_general3A_147 {offsets = [0, 0], sizes = [32, 4096], strides = [1, 1]} : vector<512x4096xf32> to vector<32x4096xf32>
    %mul3A_150 = vector.broadcast %slice3A_148 : vector<1x4096xf32> to vector<32x4096xf32>
    %mul3A_151 = arith.mulf %mul3A_150, %slice3A_149 : vector<32x4096xf32>
    %slice3A_152 = vector.extract_strided_slice %mul3A_142 {offsets = [1, 0], sizes = [1, 4096], strides = [1, 1]} : vector<16x4096xf32> to vector<1x4096xf32>
    %slice3A_153 = vector.extract_strided_slice %dot_general3A_147 {offsets = [32, 0], sizes = [32, 4096], strides = [1, 1]} : vector<512x4096xf32> to vector<32x4096xf32>
    %mul3A_154 = vector.broadcast %slice3A_152 : vector<1x4096xf32> to vector<32x4096xf32>
    %mul3A_155 = arith.mulf %mul3A_154, %slice3A_153 : vector<32x4096xf32>
    %slice3A_156 = vector.extract_strided_slice %mul3A_142 {offsets = [2, 0], sizes = [1, 4096], strides = [1, 1]} : vector<16x4096xf32> to vector<1x4096xf32>
    %slice3A_157 = vector.extract_strided_slice %dot_general3A_147 {offsets = [64, 0], sizes = [32, 4096], strides = [1, 1]} : vector<512x4096xf32> to vector<32x4096xf32>
    %mul3A_158 = vector.broadcast %slice3A_156 : vector<1x4096xf32> to vector<32x4096xf32>
    %mul3A_159 = arith.mulf %mul3A_158, %slice3A_157 : vector<32x4096xf32>
    %slice3A_160 = vector.extract_strided_slice %mul3A_142 {offsets = [3, 0], sizes = [1, 4096], strides = [1, 1]} : vector<16x4096xf32> to vector<1x4096xf32>
    %slice3A_161 = vector.extract_strided_slice %dot_general3A_147 {offsets = [96, 0], sizes = [32, 4096], strides = [1, 1]} : vector<512x4096xf32> to vector<32x4096xf32>
    %mul3A_162 = vector.broadcast %slice3A_160 : vector<1x4096xf32> to vector<32x4096xf32>
    %mul3A_163 = arith.mulf %mul3A_162, %slice3A_161 : vector<32x4096xf32>
    %slice3A_164 = vector.extract_strided_slice %mul3A_142 {offsets = [4, 0], sizes = [1, 4096], strides = [1, 1]} : vector<16x4096xf32> to vector<1x4096xf32>
    %slice3A_165 = vector.extract_strided_slice %dot_general3A_147 {offsets = [128, 0], sizes = [32, 4096], strides = [1, 1]} : vector<512x4096xf32> to vector<32x4096xf32>
    %mul3A_166 = vector.broadcast %slice3A_164 : vector<1x4096xf32> to vector<32x4096xf32>
    %mul3A_167 = arith.mulf %mul3A_166, %slice3A_165 : vector<32x4096xf32>
    %slice3A_168 = vector.extract_strided_slice %mul3A_142 {offsets = [5, 0], sizes = [1, 4096], strides = [1, 1]} : vector<16x4096xf32> to vector<1x4096xf32>
    %slice3A_169 = vector.extract_strided_slice %dot_general3A_147 {offsets = [160, 0], sizes = [32, 4096], strides = [1, 1]} : vector<512x4096xf32> to vector<32x4096xf32>
    %mul3A_170 = vector.broadcast %slice3A_168 : vector<1x4096xf32> to vector<32x4096xf32>
    %mul3A_171 = arith.mulf %mul3A_170, %slice3A_169 : vector<32x4096xf32>
    %slice3A_172 = vector.extract_strided_slice %mul3A_142 {offsets = [6, 0], sizes = [1, 4096], strides = [1, 1]} : vector<16x4096xf32> to vector<1x4096xf32>
    %slice3A_173 = vector.extract_strided_slice %dot_general3A_147 {offsets = [192, 0], sizes = [32, 4096], strides = [1, 1]} : vector<512x4096xf32> to vector<32x4096xf32>
    %mul3A_174 = vector.broadcast %slice3A_172 : vector<1x4096xf32> to vector<32x4096xf32>
    %mul3A_175 = arith.mulf %mul3A_174, %slice3A_173 : vector<32x4096xf32>
    %slice3A_176 = vector.extract_strided_slice %mul3A_142 {offsets = [7, 0], sizes = [1, 4096], strides = [1, 1]} : vector<16x4096xf32> to vector<1x4096xf32>
    %slice3A_177 = vector.extract_strided_slice %dot_general3A_147 {offsets = [224, 0], sizes = [32, 4096], strides = [1, 1]} : vector<512x4096xf32> to vector<32x4096xf32>
    %mul3A_178 = vector.broadcast %slice3A_176 : vector<1x4096xf32> to vector<32x4096xf32>
    %mul3A_179 = arith.mulf %mul3A_178, %slice3A_177 : vector<32x4096xf32>
    %slice3A_180 = vector.extract_strided_slice %mul3A_142 {offsets = [8, 0], sizes = [1, 4096], strides = [1, 1]} : vector<16x4096xf32> to vector<1x4096xf32>
    %slice3A_181 = vector.extract_strided_slice %dot_general3A_147 {offsets = [256, 0], sizes = [32, 4096], strides = [1, 1]} : vector<512x4096xf32> to vector<32x4096xf32>
    %mul3A_182 = vector.broadcast %slice3A_180 : vector<1x4096xf32> to vector<32x4096xf32>
    %mul3A_183 = arith.mulf %mul3A_182, %slice3A_181 : vector<32x4096xf32>
    %slice3A_184 = vector.extract_strided_slice %mul3A_142 {offsets = [9, 0], sizes = [1, 4096], strides = [1, 1]} : vector<16x4096xf32> to vector<1x4096xf32>
    %slice3A_185 = vector.extract_strided_slice %dot_general3A_147 {offsets = [288, 0], sizes = [32, 4096], strides = [1, 1]} : vector<512x4096xf32> to vector<32x4096xf32>
    %mul3A_186 = vector.broadcast %slice3A_184 : vector<1x4096xf32> to vector<32x4096xf32>
    %mul3A_187 = arith.mulf %mul3A_186, %slice3A_185 : vector<32x4096xf32>
    %slice3A_188 = vector.extract_strided_slice %mul3A_142 {offsets = [10, 0], sizes = [1, 4096], strides = [1, 1]} : vector<16x4096xf32> to vector<1x4096xf32>
    %slice3A_189 = vector.extract_strided_slice %dot_general3A_147 {offsets = [320, 0], sizes = [32, 4096], strides = [1, 1]} : vector<512x4096xf32> to vector<32x4096xf32>
    %mul3A_190 = vector.broadcast %slice3A_188 : vector<1x4096xf32> to vector<32x4096xf32>
    %mul3A_191 = arith.mulf %mul3A_190, %slice3A_189 : vector<32x4096xf32>
    %slice3A_192 = vector.extract_strided_slice %mul3A_142 {offsets = [11, 0], sizes = [1, 4096], strides = [1, 1]} : vector<16x4096xf32> to vector<1x4096xf32>
    %slice3A_193 = vector.extract_strided_slice %dot_general3A_147 {offsets = [352, 0], sizes = [32, 4096], strides = [1, 1]} : vector<512x4096xf32> to vector<32x4096xf32>
    %mul3A_194 = vector.broadcast %slice3A_192 : vector<1x4096xf32> to vector<32x4096xf32>
    %mul3A_195 = arith.mulf %mul3A_194, %slice3A_193 : vector<32x4096xf32>
    %slice3A_196 = vector.extract_strided_slice %mul3A_142 {offsets = [12, 0], sizes = [1, 4096], strides = [1, 1]} : vector<16x4096xf32> to vector<1x4096xf32>
    %slice3A_197 = vector.extract_strided_slice %dot_general3A_147 {offsets = [384, 0], sizes = [32, 4096], strides = [1, 1]} : vector<512x4096xf32> to vector<32x4096xf32>
    %mul3A_198 = vector.broadcast %slice3A_196 : vector<1x4096xf32> to vector<32x4096xf32>
    %mul3A_199 = arith.mulf %mul3A_198, %slice3A_197 : vector<32x4096xf32>
    %slice3A_200 = vector.extract_strided_slice %mul3A_142 {offsets = [13, 0], sizes = [1, 4096], strides = [1, 1]} : vector<16x4096xf32> to vector<1x4096xf32>
    %slice3A_201 = vector.extract_strided_slice %dot_general3A_147 {offsets = [416, 0], sizes = [32, 4096], strides = [1, 1]} : vector<512x4096xf32> to vector<32x4096xf32>
    %mul3A_202 = vector.broadcast %slice3A_200 : vector<1x4096xf32> to vector<32x4096xf32>
    %mul3A_203 = arith.mulf %mul3A_202, %slice3A_201 : vector<32x4096xf32>
    %slice3A_204 = vector.extract_strided_slice %mul3A_142 {offsets = [14, 0], sizes = [1, 4096], strides = [1, 1]} : vector<16x4096xf32> to vector<1x4096xf32>
    %slice3A_205 = vector.extract_strided_slice %dot_general3A_147 {offsets = [448, 0], sizes = [32, 4096], strides = [1, 1]} : vector<512x4096xf32> to vector<32x4096xf32>
    %mul3A_206 = vector.broadcast %slice3A_204 : vector<1x4096xf32> to vector<32x4096xf32>
    %mul3A_207 = arith.mulf %mul3A_206, %slice3A_205 : vector<32x4096xf32>
    %slice3A_208 = vector.extract_strided_slice %mul3A_142 {offsets = [15, 0], sizes = [1, 4096], strides = [1, 1]} : vector<16x4096xf32> to vector<1x4096xf32>
    %slice3A_209 = vector.extract_strided_slice %dot_general3A_147 {offsets = [480, 0], sizes = [32, 4096], strides = [1, 1]} : vector<512x4096xf32> to vector<32x4096xf32>
    %mul3A_210 = vector.broadcast %slice3A_208 : vector<1x4096xf32> to vector<32x4096xf32>
    %mul3A_211 = arith.mulf %mul3A_210, %slice3A_209 : vector<32x4096xf32>
    %add3A_212 = arith.addf %mul3A_151, %mul3A_155 : vector<32x4096xf32>
    %add3A_213 = arith.addf %mul3A_159, %mul3A_163 : vector<32x4096xf32>
    %add3A_214 = arith.addf %mul3A_167, %mul3A_171 : vector<32x4096xf32>
    %add3A_215 = arith.addf %mul3A_175, %mul3A_179 : vector<32x4096xf32>
    %add3A_216 = arith.addf %mul3A_183, %mul3A_187 : vector<32x4096xf32>
    %add3A_217 = arith.addf %mul3A_191, %mul3A_195 : vector<32x4096xf32>
    %add3A_218 = arith.addf %mul3A_199, %mul3A_203 : vector<32x4096xf32>
    %add3A_219 = arith.addf %mul3A_207, %mul3A_211 : vector<32x4096xf32>
    %add3A_220 = arith.addf %add3A_212, %add3A_213 : vector<32x4096xf32>
    %add3A_221 = arith.addf %add3A_214, %add3A_215 : vector<32x4096xf32>
    %add3A_222 = arith.addf %add3A_216, %add3A_217 : vector<32x4096xf32>
    %add3A_223 = arith.addf %add3A_218, %add3A_219 : vector<32x4096xf32>
    %add3A_224 = arith.addf %add3A_220, %add3A_221 : vector<32x4096xf32>
    %add3A_225 = arith.addf %add3A_222, %add3A_223 : vector<32x4096xf32>
    %add3A_226 = arith.addf %add3A_224, %add3A_225 : vector<32x4096xf32>
    %concatenate3A_227 = tpu.concatenate %add3A_226, %add3A in 0 : vector<32x4096xf32>, vector<32x4096xf32> -> vector<64x4096xf32>
    %get3A_228 = arith.constant 0 : index
    %get3A_229 = arith.constant 0 : index
    %get3A_230 = vector.load %arg15[%get3A_228, %get3A_229] : memref<4096x256xf32, #tpu.memory_space<vmem>>, vector<4096x256xf32>
    %dot_general3A_231 = arith.constant dense<0.000000e+00> : vector<64x256xf32>
    %dot_general3A_232 = tpu.matmul %concatenate3A_227, %get3A_230, %dot_general3A_231 {dimension_numbers = #tpu.dot_dimension_numbers<[1], [0], [0], [1], [0, 0, 1, 1], [], []>, transpose_lhs_hint = false} : vector<64x4096xf32>, vector<4096x256xf32>, vector<64x256xf32> -> vector<64x256xf32>
    %get3A_233 = arith.constant 0 : index
    %get3A_234 = arith.constant 0 : index
    %get3A_235 = vector.load %arg16[%get3A_233, %get3A_234] : memref<32x32xf32, #tpu.memory_space<vmem>>, vector<32x32xf32>
    %slice3A_236 = vector.extract_strided_slice %dot_general3A_232 {offsets = [0, 0], sizes = [32, 256], strides = [1, 1]} : vector<64x256xf32> to vector<32x256xf32>
    %dot_general3A_237 = arith.constant dense<0.000000e+00> : vector<32x256xf32>
    %dot_general3A_238 = tpu.matmul %get3A_235, %slice3A_236, %dot_general3A_237 {dimension_numbers = #tpu.dot_dimension_numbers<[1], [0], [0], [1], [0, 0, 1, 1], [], []>, transpose_lhs_hint = false} : vector<32x32xf32>, vector<32x256xf32>, vector<32x256xf32> -> vector<32x256xf32>
    %get3A_239 = arith.constant 0 : index
    %get3A_240 = arith.constant 0 : index
    %get3A_241 = vector.load %arg17[%get3A_239, %get3A_240] : memref<32x32xf32, #tpu.memory_space<vmem>>, vector<32x32xf32>
    %slice3A_242 = vector.extract_strided_slice %dot_general3A_232 {offsets = [32, 0], sizes = [32, 256], strides = [1, 1]} : vector<64x256xf32> to vector<32x256xf32>
    %dot_general3A_243 = arith.constant dense<0.000000e+00> : vector<32x256xf32>
    %dot_general3A_244 = tpu.matmul %get3A_241, %slice3A_242, %dot_general3A_243 {dimension_numbers = #tpu.dot_dimension_numbers<[1], [0], [0], [1], [0, 0, 1, 1], [], []>, transpose_lhs_hint = false} : vector<32x32xf32>, vector<32x256xf32>, vector<32x256xf32> -> vector<32x256xf32>
    %add3A_245 = arith.addf %dot_general3A_238, %dot_general3A_244 : vector<32x256xf32>
    %add3A_246 = arith.addf %add3A_245, %dot_general3A_10 : vector<32x256xf32>
    %swap3A = arith.constant 0 : index
    %swap3A_247 = arith.constant 0 : index
    %swap3A_248 = vector.load %arg18[%swap3A, %swap3A_247] : memref<32x256xf32, #tpu.memory_space<vmem>>, vector<32x256xf32>
    tpu.vector_store %arg18[%swap3A, %swap3A_247], %add3A_246 {strides = array<i32>} : memref<32x256xf32, #tpu.memory_space<vmem>>, vector<32x256xf32>,
    return
  }
  func.func @transform_0(%arg0: i32) -> (i32, i32) {
    %c0_i32 = arith.constant 0 : i32
    %c0_i32_0 = arith.constant 0 : i32
    return %c0_i32, %arg0 : i32, i32
  }
  func.func @transform_1(%arg0: i32) -> (i32, i32) {
    %c0_i32 = arith.constant 0 : i32
    %c0_i32_0 = arith.constant 0 : i32
    return %c0_i32, %arg0 : i32, i32
  }
  func.func @transform_2(%arg0: i32) -> (i32, i32) {
    %c0_i32 = arith.constant 0 : i32
    %c0_i32_0 = arith.constant 0 : i32
    return %arg0, %c0_i32 : i32, i32
  }
  func.func @transform_3(%arg0: i32) -> (i32, i32) {
    %c0_i32 = arith.constant 0 : i32
    %c0_i32_0 = arith.constant 0 : i32
    %c0_i32_1 = arith.constant 0 : i32
    return %c0_i32, %c0_i32_0 : i32, i32
  }
  func.func @transform_4(%arg0: i32) -> (i32, i32) {
    %c0_i32 = arith.constant 0 : i32
    %c0_i32_0 = arith.constant 0 : i32
    %c0_i32_1 = arith.constant 0 : i32
    return %c0_i32, %c0_i32_0 : i32, i32
  }
  func.func @transform_5(%arg0: i32) -> (i32, i32) {
    %c0_i32 = arith.constant 0 : i32
    %c0_i32_0 = arith.constant 0 : i32
    %c0_i32_1 = arith.constant 0 : i32
    return %c0_i32, %c0_i32_0 : i32, i32
  }
  func.func @transform_6(%arg0: i32) -> (i32, i32) {
    %c0_i32 = arith.constant 0 : i32
    %c0_i32_0 = arith.constant 0 : i32
    %c0_i32_1 = arith.constant 0 : i32
    return %c0_i32, %c0_i32_0 : i32, i32
  }
  func.func @transform_7(%arg0: i32) -> (i32, i32) {
    %c0_i32 = arith.constant 0 : i32
    %c0_i32_0 = arith.constant 0 : i32
    %c0_i32_1 = arith.constant 0 : i32
    return %c0_i32, %c0_i32_0 : i32, i32
  }
  func.func @transform_8(%arg0: i32) -> (i32, i32) {
    %c0_i32 = arith.constant 0 : i32
    %c0_i32_0 = arith.constant 0 : i32
    %c0_i32_1 = arith.constant 0 : i32
    return %c0_i32, %c0_i32_0 : i32, i32
  }
  func.func @transform_9(%arg0: i32) -> (i32, i32) {
    %c0_i32 = arith.constant 0 : i32
    %c0_i32_0 = arith.constant 0 : i32
    %c0_i32_1 = arith.constant 0 : i32
    return %c0_i32, %c0_i32_0 : i32, i32
  }
  func.func @transform_10(%arg0: i32) -> (i32, i32) {
    %c0_i32 = arith.constant 0 : i32
    %c0_i32_0 = arith.constant 0 : i32
    %c0_i32_1 = arith.constant 0 : i32
    return %c0_i32, %c0_i32_0 : i32, i32
  }
  func.func @transform_11(%arg0: i32) -> (i32, i32) {
    %c0_i32 = arith.constant 0 : i32
    %c0_i32_0 = arith.constant 0 : i32
    %c0_i32_1 = arith.constant 0 : i32
    return %c0_i32, %c0_i32_0 : i32, i32
  }
  func.func @transform_12(%arg0: i32) -> (i32, i32) {
    %c0_i32 = arith.constant 0 : i32
    %c0_i32_0 = arith.constant 0 : i32
    %c0_i32_1 = arith.constant 0 : i32
    return %c0_i32, %c0_i32_0 : i32, i32
  }
  func.func @transform_13(%arg0: i32) -> (i32, i32) {
    %c0_i32 = arith.constant 0 : i32
    %c0_i32_0 = arith.constant 0 : i32
    %c0_i32_1 = arith.constant 0 : i32
    return %c0_i32, %c0_i32_0 : i32, i32
  }
  func.func @transform_14(%arg0: i32) -> (i32, i32) {
    %c0_i32 = arith.constant 0 : i32
    %c0_i32_0 = arith.constant 0 : i32
    %c0_i32_1 = arith.constant 0 : i32
    return %c0_i32, %c0_i32_0 : i32, i32
  }
  func.func @transform_15(%arg0: i32) -> (i32, i32) {
    %c0_i32 = arith.constant 0 : i32
    %c0_i32_0 = arith.constant 0 : i32
    %c0_i32_1 = arith.constant 0 : i32
    return %c0_i32, %c0_i32_0 : i32, i32
  }
  func.func @transform_16(%arg0: i32) -> (i32, i32) {
    %c0_i32 = arith.constant 0 : i32
    %c0_i32_0 = arith.constant 0 : i32
    %c0_i32_1 = arith.constant 0 : i32
    return %c0_i32, %c0_i32_0 : i32, i32
  }
  func.func @transform_17(%arg0: i32) -> (i32, i32) {
    %c0_i32 = arith.constant 0 : i32
    %c0_i32_0 = arith.constant 0 : i32
    return %c0_i32, %arg0 : i32, i32
  }
}

</mosaic_0001>

<sc_bundles>
// kernel: kernel.4.cloned.1.call-start
scs
__scs_entry_jumppad:
0x0: {  	(pc) =	sbr.rel $0x88, $3  }
0x1: {  	(tag) =	ssettag $0x0;
	lr =	simm.s32 $0x1  }
0x2: {  	[smem:$0x3F92] =	sst lr;
	_ =	strace $0xD0000000  }
0x3: {  	_ = 	snop  }
0x4: {  	_ = 	snop  }
0x5: {  	_ = 	snop  }
0x6: {  	_ = 	snop  }
0x7: {  	_ = 	snop  }
__scs_overlays_trampoline_lowered:
0x8: {  	[smem:$0x3FA1] =	sst s0  }
0x9: {  	[smem:$0x3FA2] =	sst s1  }
0xa: {  	[smem:$0x3FA3] =	sst s2  }
0xb: {  	[smem:$0x3FA4] =	sst s3  }
0xc: {  	[smem:$0x3FA5] =	sst s4  }
0xd: {  	[smem:$0x3FA6] =	sst s5  }
0xe: {  	[smem:$0x3FA7] =	sst s6  }
0xf: {  	[smem:$0x3FA8] =	sst s7  }
0x10: {  	[smem:$0x3FA9] =	sst s8  }
0x11: {  	[smem:$0x3FAA] =	sst s9;
	s0 =	simm.s32 @!p0 $0x0  }
0x12: {  	s1 =	sld [smem:$0x3F90];
	s0 =	simm.s32 @p0 $0x1  }
0x13: {  	[smem:$0x3FAB] =	sst s0;
	s0 =	simm.s32 @!p1 $0x0  }
0x14: {  	s2 =	sld [smem:$0x3F8F];
	s0 =	simm.s32 @p1 $0x1  }
0x15: {  	[smem:$0x3FAC] =	sst s0;
	s0 =	simm.s32 @!p2 $0x0  }
0x16: {  	s3 =	sld [smem:$0x3FDB];
	s0 =	simm.s32 @p2 $0x1  }
0x17: {  	s4 =	simm.s32 $0x1BF5;
	[smem:$0x3FAE] =	sst s0  }
0x18: {  	s0 =	sld [smem:$0x3F91];
	_ =	swait.ge [sflag:s4], $0x0  }
0x19: {  	s7 =	sld [smem:$0x3F92]  }
0x1a: {  	s8 =	sadd.s32 $0xFFFFE003, lr  }
0x1b: {  	s9 =	sadd.s32 $0xFFFFFEF7, lr;
	s5 =	simm.s32 $0xFFFFFFFF;
	p2 =	slt.u32 s8, $0xFFFFF086  }
0x1c: {  	p1 =	slt.u32 s9, $0xF7A;
	s5 =	simm.s32 @!p2 $0x0  }
0x1d: {  	s5 =	simm.s32 @p1 $0x1;
	p0 =	seq.s32 s7, s2  }
0x1e: {  	s7 =	smul.u32 @!p0 $0xF7A, s2;
	p2 =	seq.s32 @!p0 s5, $0x0  }
0x1f: {  	s9 =	smul.u32 $0xF7A, s1;
	s8 =	simm.s32 @!p0 $0x1BF5;
	p2 =	por !p2, p0  }
0x20: {  	[sflag:s8] =	ssyncset.s32 @!p0 $0xFFFFF086;
	s6 =	sadd.s32 @!p0 s3, s7;
	s7 =	simm.s32 @!p0 $0x108  }
0x21: {  	s3 =	sadd.s32 s3, s9;
	s6 =	sadd.s32 @!p0 $0x88, s6;
	s7 =	simm.s32 @p2 $0x1082  }
0x22: {  	[simem:s7], [sflag:s8] =	dma.local @!p0 [hbm:s6], $0xF7A  }
0x23: {  	s9 =	sor.u32 $0xD0000000, s2;
	s6 =	simm.s32 $0x108;
	_ =	swait.ge @!p0 [sflag:s8], $0x0  }
0x24: {  	s3 =	sadd.s32 $0x88, s3;
	s6 =	simm.s32 @!p1 $0x1082;
	[sflag:s4] =	ssyncset.s32 $0xFFFFF086  }
0x25: {  	[simem:s6], [sflag:s4] =	dma.local [hbm:s3], $0xF7A  }
0x26: {  	[smem:$0x3F92] =	sst s1;
	(tag) =	ssettag s2;
	_ =	strace s9  }
0x27: {  	s1 =	sld [smem:$0x3FA2]  }
0x28: {  	s2 =	sld [smem:$0x3FA3]  }
0x29: {  	s4 =	sld [smem:$0x3FA5]  }
0x2a: {  	p0 =	seq.s32 s5, $0x0;
	s5 =	sld [smem:$0x3FA6]  }
0x2b: {  	s6 =	sld [smem:$0x3FA7]  }
0x2c: {  	s7 =	sld [smem:$0x3FA8]  }
0x2d: {  	s3 =	simm.s32 $0x108;
	s8 =	sld [smem:$0x3FA9]  }
0x2e: {  	s3 =	simm.s32 @!p0 $0x1082;
	s9 =	sld [smem:$0x3FAA]  }
0x2f: {  	lr =	sadd.s32 s0, s3;
	s0 =	sld [smem:$0x3FA1]  }
0x30: {  	s3 =	sld [smem:$0x3FA4]  }
0x31: {  	[smem:$0x3FAD] =	sst s10  }
0x32: {  	s10 =	sld [smem:$0x3FAB];
	_ =	sdelay $0x3  }
0x33: {  	p0 =	seq.s32 s10, $0x1;
	s10 =	sld [smem:$0x3FAD];
	_ =	sdelay $0x3  }
0x34: {  	[smem:$0x3FAD] =	sst s10  }
0x35: {  	s10 =	sld [smem:$0x3FAC];
	_ =	sdelay $0x3  }
0x36: {  	p1 =	seq.s32 s10, $0x1;
	s10 =	sld [smem:$0x3FAD];
	_ =	sdelay $0x3  }
0x37: {  	[smem:$0x3FAD] =	sst s10  }
0x38: {  	s10 =	sld [smem:$0x3FAE]  }
0x39: {  	_ = 	snop;
	(pc) =	sbr.ind lr, $3  }
0x3a: {  	_ = 	snop  }
0x3b: {  	_ = 	snop  }
0x3c: {  	p2 =	seq.s32 s10, $0x1;
	s10 =	sld [smem:$0x3FAD]  }
0x3d: {  	_ =	shalt  }
0x3e: {  	_ =	shalt  }
0x3f: {  	_ =	shalt  }
0x40: {  	_ =	shalt  }
0x41: {  	_ =	shalt  }
0x42: {  	_ =	shalt  }
0x43: {  	_ =	shalt  }
0x44: {  	_ =	shalt  }
0x45: {  	_ =	shalt  }
0x46: {  	_ =	shalt  }
0x47: {  	_ =	shalt  }
0x48: {  	_ =	shalt  }
0x49: {  	_ =	shalt  }
0x4a: {  	_ =	shalt  }
0x4b: {  	_ =	shalt  }
0x4c: {  	_ =	shalt  }
0x4d: {  	_ =	shalt  }
0x4e: {  	_ =	shalt  }
0x4f: {  	_ =	shalt  }
0x50: {  	_ =	shalt  }
0x51: {  	_ =	shalt  }
0x52: {  	_ =	shalt  }
0x53: {  	_ =	shalt  }
0x54: {  	_ =	shalt  }
0x55: {  	_ =	shalt  }
0x56: {  	_ =	shalt  }
0x57: {  	_ =	shalt  }
0x58: {  	_ =	shalt  }
0x59: {  	_ =	shalt  }
0x5a: {  	_ =	shalt  }
0x5b: {  	_ =	shalt  }
0x5c: {  	_ =	shalt  }
0x5d: {  	_ =	shalt  }
0x5e: {  	_ =	shalt  }
0x5f: {  	_ =	shalt  }
0x60: {  	_ =	shalt  }
0x61: {  	_ =	shalt  }
0x62: {  	_ =	shalt  }
0x63: {  	_ =	shalt  }
0x64: {  	_ =	shalt  }
0x65: {  	_ =	shalt  }
0x66: {  	_ =	shalt  }
0x67: {  	_ =	shalt  }
0x68: {  	_ =	shalt  }
0x69: {  	_ =	shalt  }
0x6a: {  	_ =	shalt  }
0x6b: {  	_ =	shalt  }
0x6c: {  	_ =	shalt  }
0x6d: {  	_ =	shalt  }
0x6e: {  	_ =	shalt  }
0x6f: {  	_ =	shalt  }
0x70: {  	_ =	shalt  }
0x71: {  	_ =	shalt  }
0x72: {  	_ =	shalt  }
0x73: {  	_ =	shalt  }
0x74: {  	_ =	shalt  }
0x75: {  	_ =	shalt  }
0x76: {  	_ =	shalt  }
0x77: {  	_ =	shalt  }
0x78: {  	_ =	shalt  }
0x79: {  	_ =	shalt  }
0x7a: {  	_ =	shalt  }
0x7b: {  	_ =	shalt  }
0x7c: {  	_ =	shalt  }
0x7d: {  	_ =	shalt  }
0x7e: {  	_ =	shalt  }
0x7f: {  	_ =	shalt  }
0x80: {  	_ =	shalt  }
0x81: {  	_ =	shalt  }
0x82: {  	_ =	shalt  }
0x83: {  	_ =	shalt  }
0x84: {  	_ =	shalt  }
0x85: {  	_ =	shalt  }
0x86: {  	_ =	shalt  }
0x87: {  	_ =	shalt  }
.Lfunc_end0:
.L_simem_size_0:
called_computation_lowered:
.L_overlay_start_0:
0x88: {  	s2 =	sld [smem:$0x3FD9]  }
0x89: {  	s3 =	sld [smem:$0x3FFE];
	_ =	sdelay $0x1  }
0x8a: {  	s1 =	srdreg.scid  }
0x8b: {  	s0 =	sand.u32 $0x1, s1  }
0x8c: {  	s17 =	sshll.u32 s0, $0xA;
	s2 =	sadd.s32 s3, s2  }
0x8d: {  	s2 =	sadd.s32 s2, s17  }
0x8e: {  	[smem:$0x3FB9] =	sst s2  }
0x8f: {  	_ = 	snop  }
0x90: {  	s2 =	sld [smem:$0x3FD0];
	(tm) =	ssettm $0x1  }
0x91: {  	s18 =	sld [smem:$0x3FFB];
	_ =	sdelay $0x3  }
0x92: {  	_ =	strace s18  }
0x93: {  	s3 =	sld [smem:$0x3FFC];
	_ =	sdelay $0x3  }
0x94: {  	_ =	strace s3  }
0x95: {  	s3 =	sld [smem:$0x3FFD];
	_ =	sdelay $0x3  }
0x96: {  	_ =	strace s3  }
0x97: {  	_ =	strace $0x8FFFFFFF  }
0x98: {  	s19 =	sld [smem:$0x3FDB];
	_ =	sdelay $0x1  }
0x99: {  	s4 =	simm.s32 $_scs_section_size  }
0x9a: {  	s5 =	simm.s32 $_size__tile_overlayer_lowered;
	s6 =	simm.s32 $_tile_overlayer_lowered  }
0x9b: {  	s22 =	simm.s32 $0x1BFF;
	s21 =	sshll.u32 s6, $0x1;
	s3 =	sadd.s32 s4, s19  }
0x9c: {  	s7 =	simm.s32 $0x0;
	s20 =	sshll.u32 s5, $0x1;
	s5 =	sadd.s32 s21, s3  }
0x9d: {  	[timem:s7], [sflag:s22] =	dma.local [hbm:s5], s20  }
0x9e: {  	_ =	swait.ge [sflag:s22], s20  }
0x9f: {  	s4 =	ssub.s32 $0x0, s20;
	[sflag:s22] =	ssyncset.done $0x0  }
0xa0: {  	[sflag:s22] =	ssyncadd.s32 s4;
	_ =	sdelay $0x1  }
0xa1: {  	s23 =	simm.s32 $0x1B8B  }
0xa2: {  	_ =	swait.ge [sflag:s23], $0x1  }
0xa3: {  	[sflag:s23] =	ssyncset.done $0x0  }
0xa4: {  	s25 =	simm.s32 $0x1B8E;
	s24 =	sld [smem:$0x3FFE];
	[sflag:s23] =	ssyncadd.s32 $0xFFFFFFFF  }
0xa5: {  	s26 =	simm.s32 $execute0_lowered;
	[smem:$0x3FD2] =	sst s25  }
0xa6: {  	s5 =	sshll.u32 s26, $0x1;
	_ =	strace $0x80000046;
	[dreg:$0x1] =	wrdreg $0xFFFFFFFF  }
0xa7: {  	s28 =	simm.s32 $_size_execute0_lowered;
	s3 =	sadd.s32 s3, s5;
	[dreg:$0x0] =	wrdreg $0x0  }
0xa8: {  	s5 =	sshll.u32 s28, $0x1;
	[dreg:$0x2] =	wrdreg s3  }
0xa9: {  	[dreg:$0x3] =	wrdreg s5  }
0xaa: {  	[dreg:$0x4] =	wrdreg $0xC0  }
0xab: {  	_ =	task [dreg:s7], $0x5FFFF  }
0xac: {  	[dreg:$0x1] =	wrdreg $0xFFFFFFFF  }
0xad: {  	[dreg:$0x0] =	wrdreg $0x60  }
0xae: {  	[dreg:$0x2] =	wrdreg s2  }
0xaf: {  	[dreg:$0x3] =	wrdreg s24  }
0xb0: {  	[dreg:$0x4] =	wrdreg $0x9  }
0xb1: {  	_ =	task.clear_ibuf [dreg:s7], $0x5FFFF;
	_ =	strace $0x90000046  }
0xb2: {  	s29 =	simm.s32 $0x9;
	_ =	strace $0x80000048  }
0xb3: {  	_ =	swait.ge [sflag:s29], $0x1  }
0xb4: {  	[sflag:s29] =	ssyncadd.s32 $0xFFFFFFFF  }
0xb5: {  	_ =	strace $0x90000048  }
0xb6: {  	_ =	sfence  }
0xb7: {  	s30 =	sld [smem:$0x0];
	_ =	sdelay $0x2  }
0xb8: {  	s31 =	sshll.u32 s1, $0xD;
	s1 =	sshrl.u32 s1, $0x2  }
0xb9: {  	s3 =	sand.u32 $0x4000, s31;
	s1 =	sadd.s32 s1, s30  }
0xba: {  	s0 =	sor.u32 s3, s0;
	s1 =	sshll.u32 s1, $0x11  }
0xbb: {  	s0 =	sor.u32 s1, s0  }
0xbc: {  	s0 =	sadd.s32 $0x8F2B, s0  }
0xbd: {  	[sflag:s0] =	ssyncadd.remote.s32 $0x1  }
0xbe: {  	_ =	sfence.sel $0xFFFF  }
0xbf: {  	[dreg:$0x0] =	wrdreg $0xFFFFFFFF;
	(pc) =	sbr.abs _section_cstart, $3  }
0xc0: {  	[dreg:$0x1] =	wrdreg $0xFFFFFFFF  }
0xc1: {  	_ =	task.clear_ibuf [dreg:s7], $0x2FFFF;
	_ =	strace $0x9FFFFFFF  }
0xc2: {  	(tm) =	ssettm $0x7FFFFFFF  }
0xc3: {  	_ =	shalt  }
tec
execute0_lowered:
.L_overlay_start_1:
0x0: {  	(tag) =	ssettag $0x1  }
0x1: {  	s1 =	srdreg.scid;
	s7 =	rddreg [dreg:$0x0]  }
0x2: {  	s16 =	stileid.u32;
	s3 =	simm.s32 $0x1;
	s5 =	rddreg [dreg:$0x1]  }
0x3: {  	s11 =	simm.s32 $0x0;
	s21 =	simm.s32 $0x1800;
	s22 =	simm.s32 $0x100  }
0x4: {  	s23 =	simm.s32 $0x2800;
	s24 =	simm.s32 $0x180;
	s25 =	simm.s32 $0x3800  }
0x5: {  	s26 =	simm.s32 $0x280;
	s8 =	simm.s32 $0x800;
	[smem:$0x7FF] =	sst s11  }
0x6: {  	s6 =	simm.s32 $0x5800;
	_ =	strace $0x80000047;
	[dreg:$0xb] =	wrdreg s21  }
0x7: {  	s9 =	simm.s32 $0xC800;
	s28 =	simm.s32 $0x700;
	[dreg:$0xc] =	wrdreg s22  }
0x8: {  	s29 =	simm.s32 $0xE800;
	s30 =	simm.s32 $0x780;
	[dreg:$0xd] =	wrdreg s23  }
0x9: {  	s31 =	simm.s32 $0xF800;
	s10 =	simm.s32 $0x20;
	[dreg:$0xe] =	wrdreg s24  }
0xa: {  	s1 =	sand.u32 $0x1, s1;
	s2 =	sshll.u32 s16, $0x1;
	[dreg:$0xf] =	wrdreg s25  }
0xb: {  	s2 =	sor.u32 s1, s2;
	p1 =	seq.s32 s1, $0x1;
	[dreg:$0x10] =	wrdreg s26  }
0xc: {  	s4 =	sshll.u32 s1, $0x9;
	s1 =	ssub.s32 $0x2, s1;
	[dreg:$0x11] =	wrdreg s6  }
0xd: {  	s6 =	simm.s32 $0x8800;
	s21 =	simm.s32 $0x500;
	s22 =	simm.s32 $0xA800  }
0xe: {  	s23 =	simm.s32 $0x580;
	s24 =	simm.s32 $0xB800;
	s25 =	simm.s32 $0x680  }
0xf: {  	s26 =	simm.s32 $0xD800;
	p0 =	seq.s32 s2, $0x0;
	s2 =	sshll.u32 s2, $0xD  }
0x10: {  	s19 =	sshrl.u32 s1, $0x1;
	p0 =	por !p0, !p1;
	s2 =	sadd.s32 s2, s5  }
0x11: {  	s1 =	ssub.s32 s1, s19;
	s19 =	simm.s32 $0x480;
	p0 =	por !p0, !p0  }
0x12: {  	s17 =	sadd.s32 $0x4400, s2;
	s18 =	sadd.s32 $0x4404, s2;
	s3 =	simm.s32 @!p0 $0x0  }
0x13: {  	s20 =	sadd.s32 $0x4408, s2;
	[dreg:$0x7] =	wrdreg s17;
	s3 =	ssub.s32 s16, s3  }
0x14: {  	s2 =	sadd.s32 $0x440C, s2;
	[dreg:$0x8] =	wrdreg s18;
	s3 =	sshll.u32 s3, $0xC  }
0x15: {  	s1 =	smax.u32 s1, $0x1;
	[dreg:$0x9] =	wrdreg s20;
	s3 =	sor.u32 s4, s3  }
0x16: {  	[dreg:$0xa] =	wrdreg s2;
	s2 =	simm.s32 $0x2;
	s3 =	sshrl.u32 s3, $0x3  }
0x17: {  	s18 =	simm.s32 $0x7800;
	s20 =	simm.s32 $0x9800;
	s3 =	sadd.s32 s3, s5  }
0x18: {  	p1 =	sne.s32 s1, $0x1;
	s0 =	sadd.s32 $0xFFFFFFFF, s1;
	s12 =	sadd.s32 $0x2400, s3  }
.Ltmp0:
0x19: {  	s13 =	sadd.s32 $0x2480, s3;
	[dreg:$0x3] =	wrdreg s12;
	(pc) =	sbr.rel @!p1 .LBB2_5-.Ltmp0, $4  }
0x1a: {  	p0 =	por $0x0, $0x0;
	s14 =	sadd.s32 $0x2500, s3;
	[dreg:$0x4] =	wrdreg s13  }
0x1b: {  	s4 =	simm.s32 $0x80;
	s15 =	sadd.s32 $0x2580, s3;
	[dreg:$0x5] =	wrdreg s14  }
0x1c: {  	s5 =	simm.s32 $0x4800;
	s3 =	simm.s32 $0x1;
	[dreg:$0x6] =	wrdreg s15  }
0x1d: {  	s14 =	simm.s32 $0x200;
	s13 =	simm.s32 $0x400;
	s12 =	simm.s32 $0x600  }
0x1e: {  	[dreg:$0x13] =	wrdreg s0  }
0x1f: {  	s16 =	rddreg [dreg:$0x3]  }
0x20: {  	[tilespmem:s11], [sflag:$0x2] =	stream.linear.gather [hbm4b:s16+s11], $0x200, $0x38;
	[tilespmem:$0x10800] =	vst v63  }
0x21: {  	_ =	swait.ge [sflag:s2], $0x200  }
0x22: {  	[sflag:s2] =	ssyncset.done $0x0  }
0x23: {  	s17 =	rddreg [dreg:$0x4];
	[sflag:s2] =	ssyncadd.s32 $0xFFFFFE00  }
0x24: {  	[tilespmem:s14], [sflag:$0x2] =	stream.linear.gather [hbm4b:s17+s11], $0x200, $0x38;
	[tilespmem:$0x10800] =	vst v63  }
0x25: {  	_ =	swait.ge [sflag:s2], $0x200  }
0x26: {  	[sflag:s2] =	ssyncset.done $0x0  }
0x27: {  	s1 =	rddreg [dreg:$0x5];
	[sflag:s2] =	ssyncadd.s32 $0xFFFFFE00  }
0x28: {  	[tilespmem:s13], [sflag:$0x2] =	stream.linear.gather [hbm4b:s1+s11], $0x200, $0x38;
	[tilespmem:$0x10800] =	vst v63  }
0x29: {  	_ =	swait.ge [sflag:s2], $0x200  }
0x2a: {  	[sflag:s2] =	ssyncset.done $0x0  }
0x2b: {  	s15 =	rddreg [dreg:$0x6];
	[sflag:s2] =	ssyncadd.s32 $0xFFFFFE00  }
0x2c: {  	[tilespmem:s12], [sflag:$0x2] =	stream.linear.gather [hbm4b:s15+s11], $0x200, $0x38;
	[tilespmem:$0x10800] =	vst v63  }
0x2d: {  	_ =	swait.ge [sflag:s2], $0x200  }
0x2e: {  	s17 =	rddreg [dreg:$0xc]  }
0x2f: {  	s1 =	rddreg [dreg:$0xb]  }
0x30: {  	[sflag:s2] =	ssyncset.done $0x0;
	s16 =	rddreg [dreg:$0xd]  }
0x31: {  	s0 =	rddreg [dreg:$0xf];
	[sflag:s2] =	ssyncadd.s32 $0xFFFFFE00  }
0x32: {  	[tilespmem:s8], [sflag:$0x1] =	stream.indirect.gather [hbm4b:s7+s4], $0x20, s11, s4, $0xb8;
	[tilespmem:$0x10800] =	vst v63  }
0x33: {  	[dreg:$0x12] =	wrdreg s16  }
0x34: {  	[tilespmem:s1], [sflag:$0x1] =	stream.indirect.gather [hbm4b:s7+s4], $0x20, s4, s4, $0xb8;
	[tilespmem:$0x10800] =	vst v63  }
0x35: {  	s15 =	rddreg [dreg:$0x12]  }
0x36: {  	[tilespmem:s15], [sflag:$0x1] =	stream.indirect.gather [hbm4b:s7+s4], $0x20, s17, s4, $0xb8;
	[tilespmem:$0x10800] =	vst v63  }
0x37: {  	s1 =	rddreg [dreg:$0xe]  }
0x38: {  	[tilespmem:s0], [sflag:$0x1] =	stream.indirect.gather [hbm4b:s7+s4], $0x20, s1, s4, $0xb8;
	[tilespmem:$0x10800] =	vst v63  }
0x39: {  	s15 =	rddreg [dreg:$0x11]  }
0x3a: {  	[tilespmem:s5], [sflag:$0x1] =	stream.indirect.gather [hbm4b:s7+s4], $0x20, s14, s4, $0xb8;
	[tilespmem:$0x10800] =	vst v63  }
0x3b: {  	s17 =	rddreg [dreg:$0x10]  }
0x3c: {  	[tilespmem:s15], [sflag:$0x1] =	stream.indirect.gather [hbm4b:s7+s4], $0x20, s17, s4, $0xb8;
	[tilespmem:$0x10800] =	vst v63  }
0x3d: {  	s16 =	simm.s32 $0x300;
	s15 =	simm.s32 $0x6800  }
0x3e: {  	[tilespmem:s15], [sflag:$0x1] =	stream.indirect.gather [hbm4b:s7+s4], $0x20, s16, s4, $0xb8;
	[tilespmem:$0x10800] =	vst v63  }
0x3f: {  	s16 =	simm.s32 $0x380  }
0x40: {  	[tilespmem:s18], [sflag:$0x1] =	stream.indirect.gather [hbm4b:s7+s4], $0x20, s16, s4, $0xb8;
	[tilespmem:$0x10800] =	vst v63  }
0x41: {  	_ = 	snop  }
0x42: {  	[tilespmem:s6], [sflag:$0x1] =	stream.indirect.gather [hbm4b:s7+s4], $0x20, s13, s4, $0xb8;
	[tilespmem:$0x10800] =	vst v63  }
0x43: {  	_ = 	snop  }
0x44: {  	[tilespmem:s20], [sflag:$0x1] =	stream.indirect.gather [hbm4b:s7+s4], $0x20, s19, s4, $0xb8;
	[tilespmem:$0x10800] =	vst v63  }
0x45: {  	_ = 	snop  }
0x46: {  	[tilespmem:s22], [sflag:$0x1] =	stream.indirect.gather [hbm4b:s7+s4], $0x20, s21, s4, $0xb8;
	[tilespmem:$0x10800] =	vst v63  }
0x47: {  	_ = 	snop  }
0x48: {  	[tilespmem:s24], [sflag:$0x1] =	stream.indirect.gather [hbm4b:s7+s4], $0x20, s23, s4, $0xb8;
	[tilespmem:$0x10800] =	vst v63  }
0x49: {  	_ = 	snop  }
0x4a: {  	[tilespmem:s9], [sflag:$0x1] =	stream.indirect.gather [hbm4b:s7+s4], $0x20, s12, s4, $0xb8;
	[tilespmem:$0x10800] =	vst v63  }
0x4b: {  	_ = 	snop  }
0x4c: {  	[tilespmem:s26], [sflag:$0x1] =	stream.indirect.gather [hbm4b:s7+s4], $0x20, s25, s4, $0xb8;
	[tilespmem:$0x10800] =	vst v63  }
0x4d: {  	_ = 	snop  }
0x4e: {  	[tilespmem:s29], [sflag:$0x1] =	stream.indirect.gather [hbm4b:s7+s4], $0x20, s28, s4, $0xb8;
	[tilespmem:$0x10800] =	vst v63  }
0x4f: {  	_ = 	snop  }
0x50: {  	[tilespmem:s31], [sflag:$0x1] =	stream.indirect.gather [hbm4b:s7+s4], $0x20, s30, s4, $0xb8;
	[tilespmem:$0x10800] =	vst v63  }
0x51: {  	_ =	swait.ge [sflag:s3], $0x1000  }
0x52: {  	[sflag:s3] =	ssyncset.done $0x0  }
0x53: {  	[sflag:s3] =	ssyncadd.s32 $0xFFFFF000  }
0x54: {  	_ =	swait.ge [sflag:s3], $0x1000  }
0x55: {  	[sflag:s3] =	ssyncset.done $0x0  }
0x56: {  	[sflag:s3] =	ssyncadd.s32 $0xFFFFF000  }
0x57: {  	_ =	swait.ge [sflag:s3], $0x1000  }
0x58: {  	[sflag:s3] =	ssyncset.done $0x0  }
0x59: {  	[sflag:s3] =	ssyncadd.s32 $0xFFFFF000  }
0x5a: {  	_ =	swait.ge [sflag:s3], $0x1000  }
0x5b: {  	[sflag:s3] =	ssyncset.done $0x0  }
0x5c: {  	[sflag:s3] =	ssyncadd.s32 $0xFFFFF000  }
0x5d: {  	_ =	swait.ge [sflag:s3], $0x1000  }
0x5e: {  	[sflag:s3] =	ssyncset.done $0x0  }
0x5f: {  	[sflag:s3] =	ssyncadd.s32 $0xFFFFF000  }
0x60: {  	_ =	swait.ge [sflag:s3], $0x1000  }
0x61: {  	[sflag:s3] =	ssyncset.done $0x0  }
0x62: {  	[sflag:s3] =	ssyncadd.s32 $0xFFFFF000  }
0x63: {  	_ =	swait.ge [sflag:s3], $0x1000  }
0x64: {  	[sflag:s3] =	ssyncset.done $0x0  }
0x65: {  	[sflag:s3] =	ssyncadd.s32 $0xFFFFF000  }
0x66: {  	_ =	swait.ge [sflag:s3], $0x1000  }
0x67: {  	[sflag:s3] =	ssyncset.done $0x0  }
0x68: {  	[sflag:s3] =	ssyncadd.s32 $0xFFFFF000  }
0x69: {  	_ =	swait.ge [sflag:s3], $0x1000  }
0x6a: {  	[sflag:s3] =	ssyncset.done $0x0  }
0x6b: {  	[sflag:s3] =	ssyncadd.s32 $0xFFFFF000  }
0x6c: {  	_ =	swait.ge [sflag:s3], $0x1000  }
0x6d: {  	[sflag:s3] =	ssyncset.done $0x0  }
0x6e: {  	[sflag:s3] =	ssyncadd.s32 $0xFFFFF000  }
0x6f: {  	_ =	swait.ge [sflag:s3], $0x1000  }
0x70: {  	[sflag:s3] =	ssyncset.done $0x0  }
0x71: {  	[sflag:s3] =	ssyncadd.s32 $0xFFFFF000  }
0x72: {  	_ =	swait.ge [sflag:s3], $0x1000  }
0x73: {  	[sflag:s3] =	ssyncset.done $0x0  }
0x74: {  	[sflag:s3] =	ssyncadd.s32 $0xFFFFF000  }
0x75: {  	_ =	swait.ge [sflag:s3], $0x1000  }
0x76: {  	[sflag:s3] =	ssyncset.done $0x0  }
0x77: {  	[sflag:s3] =	ssyncadd.s32 $0xFFFFF000  }
0x78: {  	_ =	swait.ge [sflag:s3], $0x1000  }
0x79: {  	[sflag:s3] =	ssyncset.done $0x0  }
0x7a: {  	[sflag:s3] =	ssyncadd.s32 $0xFFFFF000  }
0x7b: {  	_ =	swait.ge [sflag:s3], $0x1000  }
0x7c: {  	[sflag:s3] =	ssyncset.done $0x0  }
0x7d: {  	[sflag:s3] =	ssyncadd.s32 $0xFFFFF000  }
0x7e: {  	_ =	swait.ge [sflag:s3], $0x1000  }
0x7f: {  	[sflag:s3] =	ssyncset.done $0x0  }
0x80: {  	s17 =	rddreg [dreg:$0x7];
	[sflag:s3] =	ssyncadd.s32 $0xFFFFF000  }
0x81: {  	[hbm4b:s17+s10] =	stream.strided.scatter [tilespmem:s8], [sflag:$0x2], $0x4000, s4, s10, $0x38;
	[tilespmem:$0x10800] =	vst v63  }
0x82: {  	_ =	swait.ge [sflag:s2], $0x4000  }
0x83: {  	[sflag:s2] =	ssyncset.done $0x0  }
0x84: {  	s1 =	rddreg [dreg:$0x8];
	[sflag:s2] =	ssyncadd.s32 $0xFFFFC000  }
0x85: {  	[hbm4b:s1+s10] =	stream.strided.scatter [tilespmem:s5], [sflag:$0x2], $0x4000, s4, s10, $0x38;
	[tilespmem:$0x10800] =	vst v63  }
0x86: {  	_ =	swait.ge [sflag:s2], $0x4000  }
0x87: {  	[sflag:s2] =	ssyncset.done $0x0  }
0x88: {  	s15 =	rddreg [dreg:$0x9];
	[sflag:s2] =	ssyncadd.s32 $0xFFFFC000  }
0x89: {  	[hbm4b:s15+s10] =	stream.strided.scatter [tilespmem:s6], [sflag:$0x2], $0x4000, s4, s10, $0x38;
	[tilespmem:$0x10800] =	vst v63  }
0x8a: {  	_ =	swait.ge [sflag:s2], $0x4000  }
0x8b: {  	s17 =	rddreg [dreg:$0x13]  }
0x8c: {  	p1 =	sne.s32 s17, $0x1  }
.Ltmp1:
0x8d: {  	_ = 	snop;
	(pc) =	sbr.rel @!p1 .LBB2_2-.Ltmp1, $4  }
0x8e: {  	_ = 	snop  }
0x8f: {  	p0 =	por $0x1, $0x1;
	[sflag:s2] =	ssyncset.done $0x0  }
0x90: {  	s16 =	rddreg [dreg:$0xa];
	[sflag:s2] =	ssyncadd.s32 $0xFFFFC000;
	s1 =	sadd.s32 $0xFFFFFFFF, s17  }
0x91: {  	[hbm4b:s16+s10] =	stream.strided.scatter [tilespmem:s9], [sflag:$0x2], $0x4000, s4, s10, $0x38;
	[tilespmem:$0x10800] =	vst v63  }
.LBB2_3:
0x92: {  	_ =	swait.ge [sflag:s2], $0x4000  }
0x93: {  	[sflag:s2] =	ssyncset.done $0x0  }
0x94: {  	s0 =	rddreg [dreg:$0x3];
	[sflag:s2] =	ssyncadd.s32 $0xFFFFC000  }
0x95: {  	[tilespmem:s11], [sflag:$0x2] =	stream.linear.gather [hbm4b:s0+s11], $0x200, $0x38;
	[tilespmem:$0x10800] =	vst v63  }
0x96: {  	_ =	swait.ge [sflag:s2], $0x200  }
0x97: {  	[sflag:s2] =	ssyncset.done $0x0  }
0x98: {  	s16 =	rddreg [dreg:$0x4];
	[sflag:s2] =	ssyncadd.s32 $0xFFFFFE00  }
0x99: {  	[tilespmem:s14], [sflag:$0x2] =	stream.linear.gather [hbm4b:s16+s11], $0x200, $0x38;
	[tilespmem:$0x10800] =	vst v63  }
0x9a: {  	_ =	swait.ge [sflag:s2], $0x200  }
0x9b: {  	[sflag:s2] =	ssyncset.done $0x0  }
0x9c: {  	s17 =	rddreg [dreg:$0x5];
	[sflag:s2] =	ssyncadd.s32 $0xFFFFFE00  }
0x9d: {  	[tilespmem:s13], [sflag:$0x2] =	stream.linear.gather [hbm4b:s17+s11], $0x200, $0x38;
	[tilespmem:$0x10800] =	vst v63  }
0x9e: {  	_ =	swait.ge [sflag:s2], $0x200  }
0x9f: {  	[sflag:s2] =	ssyncset.done $0x0  }
0xa0: {  	s15 =	rddreg [dreg:$0x6];
	[sflag:s2] =	ssyncadd.s32 $0xFFFFFE00  }
0xa1: {  	[tilespmem:s12], [sflag:$0x2] =	stream.linear.gather [hbm4b:s15+s11], $0x200, $0x38;
	[tilespmem:$0x10800] =	vst v63  }
0xa2: {  	_ =	swait.ge [sflag:s2], $0x200  }
0xa3: {  	s0 =	rddreg [dreg:$0xc];
	[sflag:s2] =	ssyncset.done $0x0  }
0xa4: {  	s15 =	rddreg [dreg:$0xb];
	[sflag:s2] =	ssyncadd.s32 $0xFFFFFE00  }
0xa5: {  	[tilespmem:s8], [sflag:$0x1] =	stream.indirect.gather [hbm4b:s7+s4], $0x20, s11, s4, $0xb8;
	[tilespmem:$0x10800] =	vst v63  }
0xa6: {  	s16 =	rddreg [dreg:$0xd]  }
0xa7: {  	[tilespmem:s15], [sflag:$0x1] =	stream.indirect.gather [hbm4b:s7+s4], $0x20, s4, s4, $0xb8;
	[tilespmem:$0x10800] =	vst v63  }
0xa8: {  	s17 =	rddreg [dreg:$0xf]  }
0xa9: {  	[tilespmem:s16], [sflag:$0x1] =	stream.indirect.gather [hbm4b:s7+s4], $0x20, s0, s4, $0xb8;
	[tilespmem:$0x10800] =	vst v63  }
0xaa: {  	s15 =	rddreg [dreg:$0xe]  }
0xab: {  	[tilespmem:s17], [sflag:$0x1] =	stream.indirect.gather [hbm4b:s7+s4], $0x20, s15, s4, $0xb8;
	[tilespmem:$0x10800] =	vst v63  }
0xac: {  	s16 =	rddreg [dreg:$0x11]  }
0xad: {  	[tilespmem:s5], [sflag:$0x1] =	stream.indirect.gather [hbm4b:s7+s4], $0x20, s14, s4, $0xb8;
	[tilespmem:$0x10800] =	vst v63  }
0xae: {  	s17 =	rddreg [dreg:$0x10]  }
0xaf: {  	[tilespmem:s16], [sflag:$0x1] =	stream.indirect.gather [hbm4b:s7+s4], $0x20, s17, s4, $0xb8;
	[tilespmem:$0x10800] =	vst v63  }
0xb0: {  	s16 =	simm.s32 $0x300;
	s17 =	simm.s32 $0x6800  }
0xb1: {  	[tilespmem:s17], [sflag:$0x1] =	stream.indirect.gather [hbm4b:s7+s4], $0x20, s16, s4, $0xb8;
	[tilespmem:$0x10800] =	vst v63  }
0xb2: {  	s16 =	simm.s32 $0x380  }
0xb3: {  	[tilespmem:s18], [sflag:$0x1] =	stream.indirect.gather [hbm4b:s7+s4], $0x20, s16, s4, $0xb8;
	[tilespmem:$0x10800] =	vst v63  }
0xb4: {  	_ = 	snop  }
0xb5: {  	[tilespmem:s6], [sflag:$0x1] =	stream.indirect.gather [hbm4b:s7+s4], $0x20, s13, s4, $0xb8;
	[tilespmem:$0x10800] =	vst v63  }
0xb6: {  	_ = 	snop  }
0xb7: {  	[tilespmem:s20], [sflag:$0x1] =	stream.indirect.gather [hbm4b:s7+s4], $0x20, s19, s4, $0xb8;
	[tilespmem:$0x10800] =	vst v63  }
0xb8: {  	_ = 	snop  }
0xb9: {  	[tilespmem:s22], [sflag:$0x1] =	stream.indirect.gather [hbm4b:s7+s4], $0x20, s21, s4, $0xb8;
	[tilespmem:$0x10800] =	vst v63  }
0xba: {  	_ = 	snop  }
0xbb: {  	[tilespmem:s24], [sflag:$0x1] =	stream.indirect.gather [hbm4b:s7+s4], $0x20, s23, s4, $0xb8;
	[tilespmem:$0x10800] =	vst v63  }
0xbc: {  	_ = 	snop  }
0xbd: {  	[tilespmem:s9], [sflag:$0x1] =	stream.indirect.gather [hbm4b:s7+s4], $0x20, s12, s4, $0xb8;
	[tilespmem:$0x10800] =	vst v63  }
0xbe: {  	_ = 	snop  }
0xbf: {  	[tilespmem:s26], [sflag:$0x1] =	stream.indirect.gather [hbm4b:s7+s4], $0x20, s25, s4, $0xb8;
	[tilespmem:$0x10800] =	vst v63  }
0xc0: {  	_ = 	snop  }
0xc1: {  	[tilespmem:s29], [sflag:$0x1] =	stream.indirect.gather [hbm4b:s7+s4], $0x20, s28, s4, $0xb8;
	[tilespmem:$0x10800] =	vst v63  }
0xc2: {  	_ = 	snop  }
0xc3: {  	[tilespmem:s31], [sflag:$0x1] =	stream.indirect.gather [hbm4b:s7+s4], $0x20, s30, s4, $0xb8;
	[tilespmem:$0x10800] =	vst v63  }
0xc4: {  	_ =	swait.ge [sflag:s3], $0x1000  }
0xc5: {  	[sflag:s3] =	ssyncset.done $0x0  }
0xc6: {  	[sflag:s3] =	ssyncadd.s32 $0xFFFFF000  }
0xc7: {  	_ =	swait.ge [sflag:s3], $0x1000  }
0xc8: {  	[sflag:s3] =	ssyncset.done $0x0  }
0xc9: {  	[sflag:s3] =	ssyncadd.s32 $0xFFFFF000  }
0xca: {  	_ =	swait.ge [sflag:s3], $0x1000  }
0xcb: {  	[sflag:s3] =	ssyncset.done $0x0  }
0xcc: {  	[sflag:s3] =	ssyncadd.s32 $0xFFFFF000  }
0xcd: {  	_ =	swait.ge [sflag:s3], $0x1000  }
0xce: {  	[sflag:s3] =	ssyncset.done $0x0  }
0xcf: {  	[sflag:s3] =	ssyncadd.s32 $0xFFFFF000  }
0xd0: {  	_ =	swait.ge [sflag:s3], $0x1000  }
0xd1: {  	[sflag:s3] =	ssyncset.done $0x0  }
0xd2: {  	[sflag:s3] =	ssyncadd.s32 $0xFFFFF000  }
0xd3: {  	_ =	swait.ge [sflag:s3], $0x1000  }
0xd4: {  	[sflag:s3] =	ssyncset.done $0x0  }
0xd5: {  	[sflag:s3] =	ssyncadd.s32 $0xFFFFF000  }
0xd6: {  	_ =	swait.ge [sflag:s3], $0x1000  }
0xd7: {  	[sflag:s3] =	ssyncset.done $0x0  }
0xd8: {  	[sflag:s3] =	ssyncadd.s32 $0xFFFFF000  }
0xd9: {  	_ =	swait.ge [sflag:s3], $0x1000  }
0xda: {  	[sflag:s3] =	ssyncset.done $0x0  }
0xdb: {  	[sflag:s3] =	ssyncadd.s32 $0xFFFFF000  }
0xdc: {  	_ =	swait.ge [sflag:s3], $0x1000  }
0xdd: {  	[sflag:s3] =	ssyncset.done $0x0  }
0xde: {  	[sflag:s3] =	ssyncadd.s32 $0xFFFFF000  }
0xdf: {  	_ =	swait.ge [sflag:s3], $0x1000  }
0xe0: {  	[sflag:s3] =	ssyncset.done $0x0  }
0xe1: {  	[sflag:s3] =	ssyncadd.s32 $0xFFFFF000  }
0xe2: {  	_ =	swait.ge [sflag:s3], $0x1000  }
0xe3: {  	[sflag:s3] =	ssyncset.done $0x0  }
0xe4: {  	[sflag:s3] =	ssyncadd.s32 $0xFFFFF000  }
0xe5: {  	_ =	swait.ge [sflag:s3], $0x1000  }
0xe6: {  	[sflag:s3] =	ssyncset.done $0x0  }
0xe7: {  	[sflag:s3] =	ssyncadd.s32 $0xFFFFF000  }
0xe8: {  	_ =	swait.ge [sflag:s3], $0x1000  }
0xe9: {  	[sflag:s3] =	ssyncset.done $0x0  }
0xea: {  	[sflag:s3] =	ssyncadd.s32 $0xFFFFF000  }
0xeb: {  	_ =	swait.ge [sflag:s3], $0x1000  }
0xec: {  	[sflag:s3] =	ssyncset.done $0x0  }
0xed: {  	[sflag:s3] =	ssyncadd.s32 $0xFFFFF000  }
0xee: {  	_ =	swait.ge [sflag:s3], $0x1000  }
0xef: {  	[sflag:s3] =	ssyncset.done $0x0  }
0xf0: {  	[sflag:s3] =	ssyncadd.s32 $0xFFFFF000  }
0xf1: {  	_ =	swait.ge [sflag:s3], $0x1000  }
0xf2: {  	[sflag:s3] =	ssyncset.done $0x0  }
0xf3: {  	s17 =	rddreg [dreg:$0x7];
	[sflag:s3] =	ssyncadd.s32 $0xFFFFF000  }
0xf4: {  	[hbm4b:s17+s10] =	stream.strided.scatter [tilespmem:s8], [sflag:$0x2], $0x4000, s4, s10, $0x38;
	[tilespmem:$0x10800] =	vst v63  }
0xf5: {  	_ =	swait.ge [sflag:s2], $0x4000  }
0xf6: {  	[sflag:s2] =	ssyncset.done $0x0  }
0xf7: {  	s15 =	rddreg [dreg:$0x8];
	[sflag:s2] =	ssyncadd.s32 $0xFFFFC000  }
0xf8: {  	[hbm4b:s15+s10] =	stream.strided.scatter [tilespmem:s5], [sflag:$0x2], $0x4000, s4, s10, $0x38;
	[tilespmem:$0x10800] =	vst v63  }
0xf9: {  	_ =	swait.ge [sflag:s2], $0x4000  }
0xfa: {  	[sflag:s2] =	ssyncset.done $0x0  }
0xfb: {  	p1 =	sne.s32 s1, $0x1;
	s16 =	rddreg [dreg:$0x9];
	[sflag:s2] =	ssyncadd.s32 $0xFFFFC000  }
0xfc: {  	[hbm4b:s16+s10] =	stream.strided.scatter [tilespmem:s6], [sflag:$0x2], $0x4000, s4, s10, $0x38;
	[tilespmem:$0x10800] =	vst v63  }
.Ltmp2:
0xfd: {  	_ = 	snop;
	(pc) =	sbr.rel @p1 .LBB2_3-.Ltmp2, $4  }
0xfe: {  	_ =	swait.ge [sflag:s2], $0x4000  }
0xff: {  	[sflag:s2] =	ssyncset.done $0x0  }
0x100: {  	s1 =	sadd.s32 $0xFFFFFFFF, s1;
	s17 =	rddreg [dreg:$0xa];
	[sflag:s2] =	ssyncadd.s32 $0xFFFFC000  }
0x101: {  	[hbm4b:s17+s10] =	stream.strided.scatter [tilespmem:s9], [sflag:$0x2], $0x4000, s4, s10, $0x38;
	[tilespmem:$0x10800] =	vst v63  }
0x102: {  	s16 =	stileid.u32  }
.LBB2_5:
0x103: {  	_ =	swait.ge @p0 [sflag:s2], $0x4000  }
0x104: {  	[sflag:s2] =	ssyncset.done @p0 $0x0  }
0x105: {  	s0 =	rddreg [dreg:$0x3];
	[sflag:s2] =	ssyncadd.s32 @p0 $0xFFFFC000  }
0x106: {  	[tilespmem:s11], [sflag:$0x2] =	stream.linear.gather [hbm4b:s0+s11], $0x200, $0x38;
	[tilespmem:$0x10800] =	vst v63  }
0x107: {  	_ =	swait.ge [sflag:s2], $0x200  }
0x108: {  	[sflag:s2] =	ssyncset.done $0x0  }
0x109: {  	s17 =	rddreg [dreg:$0x4];
	[sflag:s2] =	ssyncadd.s32 $0xFFFFFE00  }
0x10a: {  	[tilespmem:s14], [sflag:$0x2] =	stream.linear.gather [hbm4b:s17+s11], $0x200, $0x38;
	[tilespmem:$0x10800] =	vst v63  }
0x10b: {  	_ =	swait.ge [sflag:s2], $0x200  }
0x10c: {  	[sflag:s2] =	ssyncset.done $0x0  }
0x10d: {  	s1 =	rddreg [dreg:$0x5];
	[sflag:s2] =	ssyncadd.s32 $0xFFFFFE00  }
0x10e: {  	[tilespmem:s13], [sflag:$0x2] =	stream.linear.gather [hbm4b:s1+s11], $0x200, $0x38;
	[tilespmem:$0x10800] =	vst v63  }
0x10f: {  	_ =	swait.ge [sflag:s2], $0x200  }
0x110: {  	[sflag:s2] =	ssyncset.done $0x0  }
0x111: {  	s15 =	rddreg [dreg:$0x6];
	[sflag:s2] =	ssyncadd.s32 $0xFFFFFE00  }
0x112: {  	[tilespmem:s12], [sflag:$0x2] =	stream.linear.gather [hbm4b:s15+s11], $0x200, $0x38;
	[tilespmem:$0x10800] =	vst v63  }
0x113: {  	_ =	swait.ge [sflag:s2], $0x200  }
0x114: {  	[sflag:s2] =	ssyncset.done $0x0;
	s17 =	rddreg [dreg:$0xb]  }
0x115: {  	s0 =	rddreg [dreg:$0xc];
	[sflag:s2] =	ssyncadd.s32 $0xFFFFFE00  }
0x116: {  	[tilespmem:s8], [sflag:$0x1] =	stream.indirect.gather [hbm4b:s7+s4], $0x20, s11, s4, $0xb8;
	[tilespmem:$0x10800] =	vst v63  }
0x117: {  	s1 =	rddreg [dreg:$0xd]  }
0x118: {  	[tilespmem:s17], [sflag:$0x1] =	stream.indirect.gather [hbm4b:s7+s4], $0x20, s4, s4, $0xb8;
	[tilespmem:$0x10800] =	vst v63  }
0x119: {  	s15 =	rddreg [dreg:$0xe]  }
0x11a: {  	[tilespmem:s1], [sflag:$0x1] =	stream.indirect.gather [hbm4b:s7+s4], $0x20, s0, s4, $0xb8;
	[tilespmem:$0x10800] =	vst v63  }
0x11b: {  	s11 =	rddreg [dreg:$0xf]  }
0x11c: {  	[tilespmem:s11], [sflag:$0x1] =	stream.indirect.gather [hbm4b:s7+s4], $0x20, s15, s4, $0xb8;
	[tilespmem:$0x10800] =	vst v63  }
0x11d: {  	s1 =	rddreg [dreg:$0x11]  }
0x11e: {  	[tilespmem:s5], [sflag:$0x1] =	stream.indirect.gather [hbm4b:s7+s4], $0x20, s14, s4, $0xb8;
	[tilespmem:$0x10800] =	vst v63  }
0x11f: {  	s11 =	rddreg [dreg:$0x10]  }
0x120: {  	[tilespmem:s1], [sflag:$0x1] =	stream.indirect.gather [hbm4b:s7+s4], $0x20, s11, s4, $0xb8;
	[tilespmem:$0x10800] =	vst v63  }
0x121: {  	s17 =	simm.s32 $0x300;
	s15 =	simm.s32 $0x6800  }
0x122: {  	[tilespmem:s15], [sflag:$0x1] =	stream.indirect.gather [hbm4b:s7+s4], $0x20, s17, s4, $0xb8;
	[tilespmem:$0x10800] =	vst v63  }
0x123: {  	s17 =	simm.s32 $0x380  }
0x124: {  	[tilespmem:s18], [sflag:$0x1] =	stream.indirect.gather [hbm4b:s7+s4], $0x20, s17, s4, $0xb8;
	[tilespmem:$0x10800] =	vst v63  }
0x125: {  	_ = 	snop  }
0x126: {  	[tilespmem:s6], [sflag:$0x1] =	stream.indirect.gather [hbm4b:s7+s4], $0x20, s13, s4, $0xb8;
	[tilespmem:$0x10800] =	vst v63  }
0x127: {  	_ = 	snop  }
0x128: {  	[tilespmem:s20], [sflag:$0x1] =	stream.indirect.gather [hbm4b:s7+s4], $0x20, s19, s4, $0xb8;
	[tilespmem:$0x10800] =	vst v63  }
0x129: {  	_ = 	snop  }
0x12a: {  	[tilespmem:s22], [sflag:$0x1] =	stream.indirect.gather [hbm4b:s7+s4], $0x20, s21, s4, $0xb8;
	[tilespmem:$0x10800] =	vst v63  }
0x12b: {  	_ = 	snop  }
0x12c: {  	[tilespmem:s24], [sflag:$0x1] =	stream.indirect.gather [hbm4b:s7+s4], $0x20, s23, s4, $0xb8;
	[tilespmem:$0x10800] =	vst v63  }
0x12d: {  	_ = 	snop  }
0x12e: {  	[tilespmem:s9], [sflag:$0x1] =	stream.indirect.gather [hbm4b:s7+s4], $0x20, s12, s4, $0xb8;
	[tilespmem:$0x10800] =	vst v63  }
0x12f: {  	_ = 	snop  }
0x130: {  	[tilespmem:s26], [sflag:$0x1] =	stream.indirect.gather [hbm4b:s7+s4], $0x20, s25, s4, $0xb8;
	[tilespmem:$0x10800] =	vst v63  }
0x131: {  	_ = 	snop  }
0x132: {  	[tilespmem:s29], [sflag:$0x1] =	stream.indirect.gather [hbm4b:s7+s4], $0x20, s28, s4, $0xb8;
	[tilespmem:$0x10800] =	vst v63  }
0x133: {  	_ = 	snop  }
0x134: {  	[tilespmem:s31], [sflag:$0x1] =	stream.indirect.gather [hbm4b:s7+s4], $0x20, s30, s4, $0xb8;
	[tilespmem:$0x10800] =	vst v63  }
0x135: {  	_ =	swait.ge [sflag:s3], $0x1000  }
0x136: {  	[sflag:s3] =	ssyncset.done $0x0  }
0x137: {  	[sflag:s3] =	ssyncadd.s32 $0xFFFFF000  }
0x138: {  	_ =	swait.ge [sflag:s3], $0x1000  }
0x139: {  	[sflag:s3] =	ssyncset.done $0x0  }
0x13a: {  	[sflag:s3] =	ssyncadd.s32 $0xFFFFF000  }
0x13b: {  	_ =	swait.ge [sflag:s3], $0x1000  }
0x13c: {  	[sflag:s3] =	ssyncset.done $0x0  }
0x13d: {  	[sflag:s3] =	ssyncadd.s32 $0xFFFFF000  }
0x13e: {  	_ =	swait.ge [sflag:s3], $0x1000  }
0x13f: {  	[sflag:s3] =	ssyncset.done $0x0  }
0x140: {  	[sflag:s3] =	ssyncadd.s32 $0xFFFFF000  }
0x141: {  	_ =	swait.ge [sflag:s3], $0x1000  }
0x142: {  	[sflag:s3] =	ssyncset.done $0x0  }
0x143: {  	[sflag:s3] =	ssyncadd.s32 $0xFFFFF000  }
0x144: {  	_ =	swait.ge [sflag:s3], $0x1000  }
0x145: {  	[sflag:s3] =	ssyncset.done $0x0  }
0x146: {  	[sflag:s3] =	ssyncadd.s32 $0xFFFFF000  }
0x147: {  	_ =	swait.ge [sflag:s3], $0x1000  }
0x148: {  	[sflag:s3] =	ssyncset.done $0x0  }
0x149: {  	[sflag:s3] =	ssyncadd.s32 $0xFFFFF000  }
0x14a: {  	_ =	swait.ge [sflag:s3], $0x1000  }
0x14b: {  	[sflag:s3] =	ssyncset.done $0x0  }
0x14c: {  	[sflag:s3] =	ssyncadd.s32 $0xFFFFF000  }
0x14d: {  	_ =	swait.ge [sflag:s3], $0x1000  }
0x14e: {  	[sflag:s3] =	ssyncset.done $0x0  }
0x14f: {  	[sflag:s3] =	ssyncadd.s32 $0xFFFFF000  }
0x150: {  	_ =	swait.ge [sflag:s3], $0x1000  }
0x151: {  	[sflag:s3] =	ssyncset.done $0x0  }
0x152: {  	[sflag:s3] =	ssyncadd.s32 $0xFFFFF000  }
0x153: {  	_ =	swait.ge [sflag:s3], $0x1000  }
0x154: {  	[sflag:s3] =	ssyncset.done $0x0  }
0x155: {  	[sflag:s3] =	ssyncadd.s32 $0xFFFFF000  }
0x156: {  	_ =	swait.ge [sflag:s3], $0x1000  }
0x157: {  	[sflag:s3] =	ssyncset.done $0x0  }
0x158: {  	[sflag:s3] =	ssyncadd.s32 $0xFFFFF000  }
0x159: {  	_ =	swait.ge [sflag:s3], $0x1000  }
0x15a: {  	[sflag:s3] =	ssyncset.done $0x0  }
0x15b: {  	[sflag:s3] =	ssyncadd.s32 $0xFFFFF000  }
0x15c: {  	_ =	swait.ge [sflag:s3], $0x1000  }
0x15d: {  	[sflag:s3] =	ssyncset.done $0x0  }
0x15e: {  	[sflag:s3] =	ssyncadd.s32 $0xFFFFF000  }
0x15f: {  	_ =	swait.ge [sflag:s3], $0x1000  }
0x160: {  	[sflag:s3] =	ssyncset.done $0x0  }
0x161: {  	[sflag:s3] =	ssyncadd.s32 $0xFFFFF000  }
0x162: {  	_ =	swait.ge [sflag:s3], $0x1000  }
0x163: {  	[sflag:s3] =	ssyncset.done $0x0  }
0x164: {  	s28 =	rddreg [dreg:$0x7];
	[sflag:s3] =	ssyncadd.s32 $0xFFFFF000  }
0x165: {  	[hbm4b:s28+s10] =	stream.strided.scatter [tilespmem:s8], [sflag:$0x2], $0x4000, s4, s10, $0x38;
	[tilespmem:$0x10800] =	vst v63  }
0x166: {  	_ =	swait.ge [sflag:s2], $0x4000  }
0x167: {  	[sflag:s2] =	ssyncset.done $0x0  }
0x168: {  	s29 =	rddreg [dreg:$0x8];
	[sflag:s2] =	ssyncadd.s32 $0xFFFFC000  }
0x169: {  	[hbm4b:s29+s10] =	stream.strided.scatter [tilespmem:s5], [sflag:$0x2], $0x4000, s4, s10, $0x38;
	[tilespmem:$0x10800] =	vst v63  }
0x16a: {  	_ =	swait.ge [sflag:s2], $0x4000  }
0x16b: {  	[sflag:s2] =	ssyncset.done $0x0  }
0x16c: {  	s30 =	rddreg [dreg:$0x9];
	[sflag:s2] =	ssyncadd.s32 $0xFFFFC000  }
0x16d: {  	[hbm4b:s30+s10] =	stream.strided.scatter [tilespmem:s6], [sflag:$0x2], $0x4000, s4, s10, $0x38;
	[tilespmem:$0x10800] =	vst v63  }
0x16e: {  	_ =	swait.ge [sflag:s2], $0x4000  }
0x16f: {  	[sflag:s2] =	ssyncset.done $0x0  }
0x170: {  	s31 =	rddreg [dreg:$0xa];
	[sflag:s2] =	ssyncadd.s32 $0xFFFFC000  }
0x171: {  	[hbm4b:s31+s10] =	stream.strided.scatter [tilespmem:s9], [sflag:$0x2], $0x4000, s4, s10, $0x38;
	[tilespmem:$0x10800] =	vst v63  }
0x172: {  	_ =	swait.ge [sflag:s2], $0x4000  }
0x173: {  	[sflag:s2] =	ssyncset.done $0x0  }
0x174: {  	[sflag:s2] =	ssyncadd.s32 $0xFFFFC000  }
0x175: {  	_ =	sfence.sel $0x180000  }
0x176: {  	[bflag:$0x0] =	sbarrier.arrive $0xFFFF  }
0x177: {  	_ =	strace $0x90000047  }
0x178: {  	[bflag:$0x2] =	sbarrier.arrive $0xFFFF  }
0x179: {  	p0 =	sne.s32 s16, $0x0;
	s0 =	rddreg [dreg:$0x2]  }
0x17a: {  	s0 =	sadd.s32 @!p0 $0x100000, s0  }
0x17b: {  	[sflag:s0] =	ssyncadd.tile.s32 @!p0 $0x1;
	_ =	shalt  }
.LBB2_2:
.Ltmp3:
0x17c: {  	(pc) =	sbr.rel .LBB2_5-.Ltmp3, $2  }
0x17d: {  	_ =	sdelay $0x2  }
0x17e: {  	s16 =	stileid.u32  }
.Lfunc_end2:
_tile_overlayer_lowered:
.L_overlay_start_2:
0x17f: {  	(tag) =	ssettag $0x2  }
0x180: {  	s0 =	rddreg [dreg:$0x0];
	s2 =	stileid.u32  }
0x181: {  	s1 =	rddreg [dreg:$0x1];
	p0 =	sne.s32 s2, $0x0  }
0x182: {  	s3 =	rddreg [dreg:$0x2];
	[bflag:$0x3] =	sbarrier.arrive $0xFFFF;
	s2 =	simm.s32 @!p0 $0x1C02  }
0x183: {  	[timem:s3], [sflag:s2] =	dma.local @!p0 [hbm:s0], s1  }
0x184: {  	s0 =	simm.s32 @!p0 $0x2  }
0x185: {  	_ =	swait.ge @!p0 [sflag:s0], s1  }
0x186: {  	s1 =	ssub.s32 @!p0 $0x0, s1;
	[sflag:s0] =	ssyncset.done @!p0 $0x0  }
0x187: {  	[sflag:s0] =	ssyncadd.s32 @!p0 s1  }
0x188: {  	[bflag:$0x3] =	sbarrier.arrive $0xFFFF  }
0x189: {  	_ =	shalt  }

</sc_bundles>
